<compile_context>
chip_gen: v7x
topology: tpu7x:2x2x1
jax: 0.10.2.dev20260603
libtpu: 0.0.44.dev20260713+nightly
codegen_flags: <defaults>
</compile_context>

<pallas_src>
import functools

import jax
import jax.numpy as jnp
import numpy as np
from jax import lax
from jax.experimental import pallas as pl
from jax.experimental.pallas import tpu as pltpu
from jax.experimental.pallas import tpu_sc as plsc

_RATIO = 0.25
_RADIUS = 0.2
_NS = 32
_B = 4
_N = 4096
_S = 1024


def _fps_kernel(x_ref, y_ref, z_ref, xc_ref, yc_ref, zc_ref):
    x = x_ref[...]
    y = y_ref[...]
    z = z_ref[...]
    iota = (lax.broadcasted_iota(jnp.int32, (_B, 32, 128), 1) * 128
            + lax.broadcasted_iota(jnp.int32, (_B, 32, 128), 2))

    def body(i, carry):
        dists, far = carry
        oh = iota == far
        cx = jnp.sum(jnp.where(oh, x, 0.0), axis=(1, 2))
        cy = jnp.sum(jnp.where(oh, y, 0.0), axis=(1, 2))
        cz = jnp.sum(jnp.where(oh, z, 0.0), axis=(1, 2))
        xc_ref[pl.ds(i, 1), :] = cx.reshape(1, _B)
        yc_ref[pl.ds(i, 1), :] = cy.reshape(1, _B)
        zc_ref[pl.ds(i, 1), :] = cz.reshape(1, _B)
        dx = x - cx.reshape(_B, 1, 1)
        dy = y - cy.reshape(_B, 1, 1)
        dz = z - cz.reshape(_B, 1, 1)
        d = dx * dx + dy * dy + dz * dz
        dists = jnp.minimum(dists, d)
        m = jnp.max(dists, axis=(1, 2)).reshape(_B, 1, 1)
        cand = jnp.where(dists == m, iota, jnp.int32(1 << 30))
        far = jnp.min(cand, axis=(1, 2)).reshape(_B, 1, 1)
        return dists, far

    dists0 = jnp.full((_B, 32, 128), 1e10, jnp.float32)
    far0 = jnp.zeros((_B, 1, 1), jnp.int32)
    lax.fori_loop(0, _S, body, (dists0, far0))


_SBLK = 256


def _mask_kernel(a_ref, bt_ref, mask_ref):
    a = a_ref[...].reshape(_SBLK, 3)
    bt = bt_ref[...].reshape(3, _N)
    sumA = jnp.sum(a * a, axis=-1, keepdims=True)
    sumB = jnp.sum(bt * bt, axis=0, keepdims=True)
    E = jnp.dot(a, bt, preferred_element_type=jnp.float32)
    sqr = (sumA + sumB) - 2.0 * E
    keep = jnp.logical_not(sqr > jnp.float32(_RADIUS ** 2))
    mask_ref[...] = keep.astype(jnp.int32).reshape(1, _SBLK, _N)


def _run_mask(new_xyz, xyz):
    return pl.pallas_call(
        _mask_kernel,
        grid=(_B, _S // _SBLK),
        in_specs=[
            pl.BlockSpec((1, _SBLK, 3), lambda b, sb: (b, sb, 0)),
            pl.BlockSpec((1, 3, _N), lambda b, sb: (b, 0, 0)),
        ],
        out_specs=pl.BlockSpec((1, _SBLK, _N), lambda b, sb: (b, sb, 0)),
        out_shape=jax.ShapeDtypeStruct((_B, _S, _N), jnp.int32),
    )(new_xyz, xyz)



_NCHUNK = _N // 16
_IDXPAD = 48
_RW = 128 * _NS


def _sc_select_body(mask_hbm, xyz_hbm, c_hbm, out_hbm,
                    maskbuf, xb, yb, zb, cxb, cyb, czb, idxb, relbuf, cntb):
    wid = lax.axis_index("s") * 2 + lax.axis_index("c")
    b = wid // 8
    s0 = (wid % 8) * 128

    pltpu.sync_copy(xyz_hbm.at[pl.ds((b * 3 + 0) * _N, _N)], xb)
    pltpu.sync_copy(xyz_hbm.at[pl.ds((b * 3 + 1) * _N, _N)], yb)
    pltpu.sync_copy(xyz_hbm.at[pl.ds((b * 3 + 2) * _N, _N)], zb)
    pltpu.sync_copy(c_hbm.at[pl.ds((b * 3 + 0) * _S + s0, 128)], cxb)
    pltpu.sync_copy(c_hbm.at[pl.ds((b * 3 + 1) * _S + s0, 128)], cyb)
    pltpu.sync_copy(c_hbm.at[pl.ds((b * 3 + 2) * _S + s0, 128)], czb)

    lane = lax.broadcasted_iota(jnp.int32, (16,), 0)

    def row_body(r, carry):
        row = b * _S + s0 + r
        pltpu.sync_copy(mask_hbm.at[pl.ds(row * _N, _N)], maskbuf)

        ns_vec = jnp.full((16,), _NS, jnp.int32)

        def group(g, cntv):
            @pl.when(jnp.max(cntv) < _NS)
            def _():
                def step(ch, cv):
                    mvec = maskbuf[pl.ds(ch * 16, 16)]
                    sel = jnp.logical_and(mvec > 0, cv < ns_vec)
                    idxv = lane + ch * 16
                    pfx = plsc.cumsum(sel.astype(jnp.int32))
                    pos = jnp.where(sel, cv + pfx - 1, _IDXPAD - 1)
                    plsc.store_scatter(idxb, [pos], idxv)
                    return cv + plsc.all_reduce_population_count(sel)
                cntb[...] = lax.fori_loop(g * 16, g * 16 + 16, step, cntv)
            return cntb[...]

        cntv = lax.fori_loop(0, _NCHUNK // 16, group,
                             jnp.zeros((16,), jnp.int32))
        cnt = cntv

        zero16 = jnp.zeros((16,), jnp.int32)
        first = plsc.load_gather(idxb, [zero16])
        ridx = jnp.full((16,), r, jnp.int32)
        cxv = plsc.load_gather(cxb, [ridx])
        cyv = plsc.load_gather(cyb, [ridx])
        czv = plsc.load_gather(czb, [ridx])
        for h in range(2):
            vh = idxb[pl.ds(h * 16, 16)]
            valid = (lane + h * 16) < cnt
            gi = jnp.where(valid, vh, first)
            off = r * _NS + h * 16
            relbuf[pl.ds(off, 16)] = plsc.load_gather(xb, [gi]) - cxv
            relbuf[pl.ds(_RW + off, 16)] = plsc.load_gather(yb, [gi]) - cyv
            relbuf[pl.ds(2 * _RW + off, 16)] = plsc.load_gather(zb, [gi]) - czv
        return carry

    lax.fori_loop(0, 128, row_body, jnp.int32(0))

    for c in range(3):
        pltpu.sync_copy(relbuf.at[pl.ds(c * _RW, _RW)],
                        out_hbm.at[pl.ds(((b * 3 + c) * _S + s0) * _NS, _RW)])


def _run_sc_select(mask_flat, xyz, cnew):
    f = functools.partial(
        pl.kernel,
        out_type=jax.ShapeDtypeStruct((_B * 3 * _S * _NS,), jnp.float32),
        mesh=plsc.VectorSubcoreMesh(core_axis_name="c", subcore_axis_name="s"),
        compiler_params=pltpu.CompilerParams(needs_layout_passes=False),
        scratch_types=[
            pltpu.VMEM((_N,), jnp.int32),
            pltpu.VMEM((_N,), jnp.float32),
            pltpu.VMEM((_N,), jnp.float32),
            pltpu.VMEM((_N,), jnp.float32),
            pltpu.VMEM((128,), jnp.float32),
            pltpu.VMEM((128,), jnp.float32),
            pltpu.VMEM((128,), jnp.float32),
            pltpu.VMEM((_IDXPAD,), jnp.int32),
            pltpu.VMEM((3 * _RW,), jnp.float32),
            pltpu.VMEM((16,), jnp.int32),
        ],
    )(_sc_select_body)
    out = f(mask_flat.reshape(-1), xyz.reshape(-1), cnew.reshape(-1))
    return out.reshape(_B, 3, _S * _NS)


def _run_fps(xyz):
    x = xyz[:, 0, :].reshape(_B, 32, 128)
    y = xyz[:, 1, :].reshape(_B, 32, 128)
    z = xyz[:, 2, :].reshape(_B, 32, 128)
    out_sh = jax.ShapeDtypeStruct((_S, _B), jnp.float32)
    xc, yc, zc = pl.pallas_call(
        _fps_kernel,
        out_shape=(out_sh, out_sh, out_sh),
    )(x, y, z)
    return xc, yc, zc


_MBLK = 8192


def _mlp_kernel(rel_ref, w1_ref, w2_ref, w3_ref, b1_ref, b2_ref, b3_ref, out_ref):
    x = rel_ref[...].reshape(3, _MBLK)
    w1 = w1_ref[...]
    h = ((w1[:, 0:1] * x[0:1, :] + w1[:, 1:2] * x[1:2, :])
         + w1[:, 2:3] * x[2:3, :])
    h = jnp.maximum(h + b1_ref[...], 0.0)
    h = jnp.dot(w2_ref[...], h, preferred_element_type=jnp.float32)
    h = jnp.maximum(h + b2_ref[...], 0.0)
    z = jnp.dot(w3_ref[...], h, preferred_element_type=jnp.float32)
    m = jnp.max(z.reshape(128, _MBLK // _NS, _NS), axis=2)
    out_ref[...] = jnp.maximum(m + b3_ref[...], 0.0).reshape(1, 128, _MBLK // _NS)


def _run_mlp(rel, w1, w2, w3, b1, b2, b3):
    return pl.pallas_call(
        _mlp_kernel,
        grid=(_B, (_S * _NS) // _MBLK),
        in_specs=[
            pl.BlockSpec((1, 3, _MBLK), lambda b, mb: (b, 0, mb)),
            pl.BlockSpec((64, 3), lambda b, mb: (0, 0)),
            pl.BlockSpec((64, 64), lambda b, mb: (0, 0)),
            pl.BlockSpec((128, 64), lambda b, mb: (0, 0)),
            pl.BlockSpec((64, 1), lambda b, mb: (0, 0)),
            pl.BlockSpec((64, 1), lambda b, mb: (0, 0)),
            pl.BlockSpec((128, 1), lambda b, mb: (0, 0)),
        ],
        out_specs=pl.BlockSpec((1, 128, _MBLK // _NS), lambda b, mb: (b, 0, mb)),
        out_shape=jax.ShapeDtypeStruct((_B, 128, _S), jnp.float32),
    )(rel, w1, w2, w3, b1, b2, b3)


def kernel(xyz, features, W1, b1, W2, b2, W3, b3):
    xc, yc, zc = _run_fps(xyz)
    new_xyz = jnp.stack([xc.T, yc.T, zc.T], axis=-1)

    mask = _run_mask(new_xyz, xyz)
    new_xyz_out = jnp.transpose(new_xyz, (0, 2, 1))
    rel = _run_sc_select(mask, xyz, new_xyz_out)
    new_points_out = _run_mlp(rel, W1, W2, W3,
                              b1.reshape(64, 1), b2.reshape(64, 1),
                              b3.reshape(128, 1))
    return (new_xyz_out, new_points_out)

# --- scband reference (transcript-rebuilt; emitter-appended) ---
"""Pipeline reference for scband-point-net-set-abstraction-81303730913468 (READ-ONLY COPY).

The authoritative reference and input builder live on the scoring server;
editing this copy changes nothing except your own understanding.
"""

import jax, jax.numpy as jnp
import numpy as np

RATIO = 0.25
RADIUS = 0.2
NSAMPLE = 32


def setup_inputs(seed: int = 0) -> dict:
    key = jax.random.key(seed)
    ks = jax.random.split(key, 8)
    xyz = jax.random.uniform(ks[0], (4, 3, 4096), dtype=jnp.float32)
    features = jax.random.normal(ks[1], (4, 64, 4096), dtype=jnp.float32)
    W1 = jax.random.normal(ks[2], (64, 3), dtype=jnp.float32) * 0.1
    b1 = jnp.zeros((64,), jnp.float32)
    W2 = jax.random.normal(ks[3], (64, 64), dtype=jnp.float32) * 0.1
    b2 = jnp.zeros((64,), jnp.float32)
    W3 = jax.random.normal(ks[4], (128, 64), dtype=jnp.float32) * 0.1
    b3 = jnp.zeros((128,), jnp.float32)
    return {"xyz": xyz, "features": features, "W1": W1, "b1": b1, "W2": W2, "b2": b2, "W3": W3, "b3": b3}


def _fps(points, s):
    # points: [B, N, 3] -> farthest point sample indices [B, s]
    B, N, _ = points.shape

    def body(i, state):
        idxs, dists, farthest = state
        idxs = idxs.at[:, i].set(farthest)
        centroid = jnp.take_along_axis(points, farthest[:, None, None], axis=1)  # [B,1,3]
        d = jnp.sum((points - centroid) ** 2, axis=-1)  # [B,N]
        dists = jnp.minimum(dists, d)
        farthest = jnp.argmax(dists, axis=-1).astype(jnp.int32)
        return idxs, dists, farthest

    idxs = jnp.zeros((B, s), jnp.int32)
    dists = jnp.full((B, N), 1e10, jnp.float32)
    farthest = jnp.zeros((B,), jnp.int32)
    idxs, _, _ = jax.lax.fori_loop(0, s, body, (idxs, dists, farthest))
    return idxs


def _square_distance(a, b):
    # a: [B,S,3], b: [B,N,3] -> [B,S,N]
    return (jnp.sum(a ** 2, -1)[:, :, None] + jnp.sum(b ** 2, -1)[:, None, :]
            - 2.0 * jnp.einsum('bsc,bnc->bsn', a, b))


def _query_ball(radius, nsample, pts, new_xyz):
    # pts: [B,N,3], new_xyz: [B,S,3] -> group idx [B,S,nsample]
    B, N, _ = pts.shape
    S = new_xyz.shape[1]
    sqr = _square_distance(new_xyz, pts)
    gidx = jnp.broadcast_to(jnp.arange(N, dtype=jnp.int32)[None, None, :], (B, S, N))
    gidx = jnp.where(sqr > radius ** 2, N, gidx)
    gidx = jnp.sort(gidx, axis=-1)[:, :, :nsample]
    first = gidx[:, :, 0:1]
    gidx = jnp.where(gidx == N, jnp.broadcast_to(first, gidx.shape), gidx)
    return gidx


def reference(xyz, features, W1, b1, W2, b2, W3, b3):
    # xyz: [B, 3, N]; features: [B, D, N] (unused in the non-group_all branch,
    # faithful to the torch code which only groups xyz coordinates)
    pts = jnp.transpose(xyz, (0, 2, 1))  # [B,N,3]
    N = pts.shape[1]
    s = int(N * RATIO)
    fps_idx = _fps(jax.lax.stop_gradient(pts), s)  # [B,s]
    new_xyz = jnp.take_along_axis(pts, fps_idx[:, :, None], axis=1)  # [B,s,3]
    gidx = _query_ball(RADIUS, NSAMPLE, pts, new_xyz)  # [B,s,nsample]
    grouped = jax.vmap(lambda p, i: p[i])(pts, gidx)  # [B,s,nsample,3]
    new_points = grouped - new_xyz[:, :, None, :]
    # permute(0,3,2,1): [B,s,nsample,3] -> [B,3,nsample,s]
    x = jnp.transpose(new_points, (0, 3, 2, 1))
    # 1x1 Conv2d MLP stack (SeqPointNetConv2d, channels [3,64,64,128]) with ReLU
    h = jax.nn.relu(jnp.einsum('oc,bchw->bohw', W1, x) + b1[None, :, None, None])
    h = jax.nn.relu(jnp.einsum('oc,bchw->bohw', W2, h) + b2[None, :, None, None])
    h = jax.nn.relu(jnp.einsum('oc,bchw->bohw', W3, h) + b3[None, :, None, None])
    new_points_out = jnp.max(h, axis=2)  # max over nsample -> [B,128,s]
    new_xyz_out = jnp.transpose(new_xyz, (0, 2, 1))  # [B,3,s]
    return (new_xyz_out, new_points_out)

if __name__ == "__main__":
    import jax
    _d = setup_inputs()
    print(jax.jit(kernel)(*tuple(_d.values())))

</pallas_src>

<mosaic_0001>
#map = affine_map<(d0, d1) -> (0)>
module attributes {stable_mosaic.version = 14 : i64} {
  func.func @_sc_select_body(%arg0: i32, %arg1: i32, %arg2: memref<16777216xi32, #tpu.memory_space<hbm>>, %arg3: memref<49152xf32, #tpu.memory_space<hbm>>, %arg4: memref<12288xf32, #tpu.memory_space<hbm>>, %arg5: memref<393216xf32, #tpu.memory_space<hbm>>, %arg6: memref<4096xi32, #tpu.memory_space<vmem>>, %arg7: memref<4096xf32, #tpu.memory_space<vmem>>, %arg8: memref<4096xf32, #tpu.memory_space<vmem>>, %arg9: memref<4096xf32, #tpu.memory_space<vmem>>, %arg10: memref<128xf32, #tpu.memory_space<vmem>>, %arg11: memref<128xf32, #tpu.memory_space<vmem>>, %arg12: memref<128xf32, #tpu.memory_space<vmem>>, %arg13: memref<48xi32, #tpu.memory_space<vmem>>, %arg14: memref<12288xf32, #tpu.memory_space<vmem>>, %arg15: memref<16xi32, #tpu.memory_space<vmem>>) attributes {dimension_semantics = [#tpu.dimension_semantics<core_parallel>, #tpu.dimension_semantics<subcore_parallel>], iteration_bounds = array<i64: 2, 16>, scalar_prefetch = 0 : i64, scratch_operands = 10 : i64, tpu.core_type = #tpu.core_type<sc_vector_subcore>, window_params = [{transform_indices = #map}, {transform_indices = #map}, {transform_indices = #map}, {transform_indices = #map}]} {
    %mul3A = arith.constant 2 : i32
    %mul3A_0 = arith.muli %arg1, %mul3A : i32
    %add3A = arith.addi %mul3A_0, %arg0 : i32
    %jit3A = arith.constant 8 : i32
    %div3A = arith.divsi %add3A, %jit3A : i32
    %sign3A = arith.constant 0 : i32
    %sign3A_1 = arith.cmpi sgt, %add3A, %sign3A : i32
    %sign3A_2 = arith.extui %sign3A_1 : i1 to i32
    %sign3A_3 = arith.constant 0 : i32
    %sign3A_4 = arith.cmpi slt, %add3A, %sign3A_3 : i32
    %sign3A_5 = arith.extui %sign3A_4 : i1 to i32
    %sign3A_6 = arith.subi %sign3A_2, %sign3A_5 : i32
    %sign3A_7 = arith.constant 0 : i32
    %sign3A_8 = arith.cmpi sgt, %jit3A, %sign3A_7 : i32
    %sign3A_9 = arith.extui %sign3A_8 : i1 to i32
    %sign3A_10 = arith.constant 0 : i32
    %sign3A_11 = arith.cmpi slt, %jit3A, %sign3A_10 : i32
    %sign3A_12 = arith.extui %sign3A_11 : i1 to i32
    %sign3A_13 = arith.subi %sign3A_9, %sign3A_12 : i32
    %ne3A = arith.cmpi ne, %sign3A_6, %sign3A_13 : i32
    %rem3A = arith.remsi %add3A, %jit3A : i32
    %ne3A_14 = arith.constant 0 : i32
    %ne3A_15 = arith.cmpi ne, %rem3A, %ne3A_14 : i32
    %and3A = arith.andi %ne3A, %ne3A_15 : i1
    %sub3A = arith.constant 1 : i32
    %sub3A_16 = arith.subi %div3A, %sub3A : i32
    %select_n3A = arith.select %and3A, %sub3A_16, %div3A : i32
    %jit3A_17 = arith.constant 8 : i32
    %eq3A = arith.constant 0 : i32
    %eq3A_18 = arith.cmpi eq, %jit3A_17, %eq3A : i32
    %jit3A_19 = arith.constant 1 : i32
    %select_n3A_20 = arith.select %eq3A_18, %jit3A_19, %jit3A_17 : i32
    %rem3A_21 = arith.remsi %add3A, %select_n3A_20 : i32
    %ne3A_22 = arith.constant 0 : i32
    %ne3A_23 = arith.cmpi ne, %rem3A_21, %ne3A_22 : i32
    %lt3A = arith.constant 0 : i32
    %lt3A_24 = arith.cmpi slt, %rem3A_21, %lt3A : i32
    %lt3A_25 = arith.constant 0 : i32
    %lt3A_26 = arith.cmpi slt, %select_n3A_20, %lt3A_25 : i32
    %ne3A_27 = arith.xori %lt3A_24, %lt3A_26 : i1
    %and3A_28 = arith.andi %ne3A_27, %ne3A_23 : i1
    %add3A_29 = arith.addi %rem3A_21, %select_n3A_20 : i32
    %select_n3A_30 = arith.select %and3A_28, %add3A_29, %rem3A_21 : i32
    %mul3A_31 = arith.constant 128 : i32
    %mul3A_32 = arith.muli %select_n3A_30, %mul3A_31 : i32
    %mul3A_33 = arith.constant 3 : i32
    %mul3A_34 = arith.muli %select_n3A, %mul3A_33 : i32
    %add3A_35 = arith.constant 0 : i32
    %add3A_36 = arith.addi %mul3A_34, %add3A_35 : i32
    %mul3A_37 = arith.constant 4096 : i32
    %mul3A_38 = arith.muli %add3A_36, %mul3A_37 : i32
    "tpu.region"() ({
      %run_scoped3A = tpu.sem_alloc : memref<!tpu.dma_semaphore, #tpu.memory_space<semaphore_mem>>
      %dma_start3A = tpu.memref_slice %arg3[%mul3A_38] : memref<49152xf32, #tpu.memory_space<hbm>> -> memref<4096xf32, #tpu.memory_space<hbm>>
      %dma_start3A_104 = tpu.memref_slice %arg3[%mul3A_38] : memref<49152xf32, #tpu.memory_space<hbm>> -> memref<4096xf32, #tpu.memory_space<hbm>>
      tpu.enqueue_dma source(%dma_start3A_104 : memref<4096xf32, #tpu.memory_space<hbm>>) target(%arg7 : memref<4096xf32, #tpu.memory_space<vmem>>) target_semaphore(%run_scoped3A : memref<!tpu.dma_semaphore, #tpu.memory_space<semaphore_mem>>)
      %dma_wait3A = tpu.memref_slice %arg3[%mul3A_38] : memref<49152xf32, #tpu.memory_space<hbm>> -> memref<4096xf32, #tpu.memory_space<hbm>>
      %dma_wait3A_105 = tpu.memref_slice %arg3[%mul3A_38] : memref<49152xf32, #tpu.memory_space<hbm>> -> memref<4096xf32, #tpu.memory_space<hbm>>
      tpu.wait_dma2 semaphore(%run_scoped3A : memref<!tpu.dma_semaphore, #tpu.memory_space<semaphore_mem>>) src(%dma_wait3A_105 : memref<4096xf32, #tpu.memory_space<hbm>>) dst(%arg7 : memref<4096xf32, #tpu.memory_space<vmem>>)
      tpu.yield
    }) : () -> ()
    %mul3A_39 = arith.constant 3 : i32
    %mul3A_40 = arith.muli %select_n3A, %mul3A_39 : i32
    %add3A_41 = arith.constant 1 : i32
    %add3A_42 = arith.addi %mul3A_40, %add3A_41 : i32
    %mul3A_43 = arith.constant 4096 : i32
    %mul3A_44 = arith.muli %add3A_42, %mul3A_43 : i32
    "tpu.region"() ({
      %run_scoped3A = tpu.sem_alloc : memref<!tpu.dma_semaphore, #tpu.memory_space<semaphore_mem>>
      %dma_start3A = tpu.memref_slice %arg3[%mul3A_44] : memref<49152xf32, #tpu.memory_space<hbm>> -> memref<4096xf32, #tpu.memory_space<hbm>>
      %dma_start3A_104 = tpu.memref_slice %arg3[%mul3A_44] : memref<49152xf32, #tpu.memory_space<hbm>> -> memref<4096xf32, #tpu.memory_space<hbm>>
      tpu.enqueue_dma source(%dma_start3A_104 : memref<4096xf32, #tpu.memory_space<hbm>>) target(%arg8 : memref<4096xf32, #tpu.memory_space<vmem>>) target_semaphore(%run_scoped3A : memref<!tpu.dma_semaphore, #tpu.memory_space<semaphore_mem>>)
      %dma_wait3A = tpu.memref_slice %arg3[%mul3A_44] : memref<49152xf32, #tpu.memory_space<hbm>> -> memref<4096xf32, #tpu.memory_space<hbm>>
      %dma_wait3A_105 = tpu.memref_slice %arg3[%mul3A_44] : memref<49152xf32, #tpu.memory_space<hbm>> -> memref<4096xf32, #tpu.memory_space<hbm>>
      tpu.wait_dma2 semaphore(%run_scoped3A : memref<!tpu.dma_semaphore, #tpu.memory_space<semaphore_mem>>) src(%dma_wait3A_105 : memref<4096xf32, #tpu.memory_space<hbm>>) dst(%arg8 : memref<4096xf32, #tpu.memory_space<vmem>>)
      tpu.yield
    }) : () -> ()
    %mul3A_45 = arith.constant 3 : i32
    %mul3A_46 = arith.muli %select_n3A, %mul3A_45 : i32
    %add3A_47 = arith.constant 2 : i32
    %add3A_48 = arith.addi %mul3A_46, %add3A_47 : i32
    %mul3A_49 = arith.constant 4096 : i32
    %mul3A_50 = arith.muli %add3A_48, %mul3A_49 : i32
    "tpu.region"() ({
      %run_scoped3A = tpu.sem_alloc : memref<!tpu.dma_semaphore, #tpu.memory_space<semaphore_mem>>
      %dma_start3A = tpu.memref_slice %arg3[%mul3A_50] : memref<49152xf32, #tpu.memory_space<hbm>> -> memref<4096xf32, #tpu.memory_space<hbm>>
      %dma_start3A_104 = tpu.memref_slice %arg3[%mul3A_50] : memref<49152xf32, #tpu.memory_space<hbm>> -> memref<4096xf32, #tpu.memory_space<hbm>>
      tpu.enqueue_dma source(%dma_start3A_104 : memref<4096xf32, #tpu.memory_space<hbm>>) target(%arg9 : memref<4096xf32, #tpu.memory_space<vmem>>) target_semaphore(%run_scoped3A : memref<!tpu.dma_semaphore, #tpu.memory_space<semaphore_mem>>)
      %dma_wait3A = tpu.memref_slice %arg3[%mul3A_50] : memref<49152xf32, #tpu.memory_space<hbm>> -> memref<4096xf32, #tpu.memory_space<hbm>>
      %dma_wait3A_105 = tpu.memref_slice %arg3[%mul3A_50] : memref<49152xf32, #tpu.memory_space<hbm>> -> memref<4096xf32, #tpu.memory_space<hbm>>
      tpu.wait_dma2 semaphore(%run_scoped3A : memref<!tpu.dma_semaphore, #tpu.memory_space<semaphore_mem>>) src(%dma_wait3A_105 : memref<4096xf32, #tpu.memory_space<hbm>>) dst(%arg9 : memref<4096xf32, #tpu.memory_space<vmem>>)
      tpu.yield
    }) : () -> ()
    %mul3A_51 = arith.constant 3 : i32
    %mul3A_52 = arith.muli %select_n3A, %mul3A_51 : i32
    %add3A_53 = arith.constant 0 : i32
    %add3A_54 = arith.addi %mul3A_52, %add3A_53 : i32
    %mul3A_55 = arith.constant 1024 : i32
    %mul3A_56 = arith.muli %add3A_54, %mul3A_55 : i32
    %add3A_57 = arith.addi %mul3A_56, %mul3A_32 : i32
    "tpu.region"() ({
      %run_scoped3A = tpu.sem_alloc : memref<!tpu.dma_semaphore, #tpu.memory_space<semaphore_mem>>
      %dma_start3A = tpu.memref_slice %arg4[%add3A_57] : memref<12288xf32, #tpu.memory_space<hbm>> -> memref<128xf32, #tpu.memory_space<hbm>>
      %dma_start3A_104 = tpu.memref_slice %arg4[%add3A_57] : memref<12288xf32, #tpu.memory_space<hbm>> -> memref<128xf32, #tpu.memory_space<hbm>>
      tpu.enqueue_dma source(%dma_start3A_104 : memref<128xf32, #tpu.memory_space<hbm>>) target(%arg10 : memref<128xf32, #tpu.memory_space<vmem>>) target_semaphore(%run_scoped3A : memref<!tpu.dma_semaphore, #tpu.memory_space<semaphore_mem>>)
      %dma_wait3A = tpu.memref_slice %arg4[%add3A_57] : memref<12288xf32, #tpu.memory_space<hbm>> -> memref<128xf32, #tpu.memory_space<hbm>>
      %dma_wait3A_105 = tpu.memref_slice %arg4[%add3A_57] : memref<12288xf32, #tpu.memory_space<hbm>> -> memref<128xf32, #tpu.memory_space<hbm>>
      tpu.wait_dma2 semaphore(%run_scoped3A : memref<!tpu.dma_semaphore, #tpu.memory_space<semaphore_mem>>) src(%dma_wait3A_105 : memref<128xf32, #tpu.memory_space<hbm>>) dst(%arg10 : memref<128xf32, #tpu.memory_space<vmem>>)
      tpu.yield
    }) : () -> ()
    %mul3A_58 = arith.constant 3 : i32
    %mul3A_59 = arith.muli %select_n3A, %mul3A_58 : i32
    %add3A_60 = arith.constant 1 : i32
    %add3A_61 = arith.addi %mul3A_59, %add3A_60 : i32
    %mul3A_62 = arith.constant 1024 : i32
    %mul3A_63 = arith.muli %add3A_61, %mul3A_62 : i32
    %add3A_64 = arith.addi %mul3A_63, %mul3A_32 : i32
    "tpu.region"() ({
      %run_scoped3A = tpu.sem_alloc : memref<!tpu.dma_semaphore, #tpu.memory_space<semaphore_mem>>
      %dma_start3A = tpu.memref_slice %arg4[%add3A_64] : memref<12288xf32, #tpu.memory_space<hbm>> -> memref<128xf32, #tpu.memory_space<hbm>>
      %dma_start3A_104 = tpu.memref_slice %arg4[%add3A_64] : memref<12288xf32, #tpu.memory_space<hbm>> -> memref<128xf32, #tpu.memory_space<hbm>>
      tpu.enqueue_dma source(%dma_start3A_104 : memref<128xf32, #tpu.memory_space<hbm>>) target(%arg11 : memref<128xf32, #tpu.memory_space<vmem>>) target_semaphore(%run_scoped3A : memref<!tpu.dma_semaphore, #tpu.memory_space<semaphore_mem>>)
      %dma_wait3A = tpu.memref_slice %arg4[%add3A_64] : memref<12288xf32, #tpu.memory_space<hbm>> -> memref<128xf32, #tpu.memory_space<hbm>>
      %dma_wait3A_105 = tpu.memref_slice %arg4[%add3A_64] : memref<12288xf32, #tpu.memory_space<hbm>> -> memref<128xf32, #tpu.memory_space<hbm>>
      tpu.wait_dma2 semaphore(%run_scoped3A : memref<!tpu.dma_semaphore, #tpu.memory_space<semaphore_mem>>) src(%dma_wait3A_105 : memref<128xf32, #tpu.memory_space<hbm>>) dst(%arg11 : memref<128xf32, #tpu.memory_space<vmem>>)
      tpu.yield
    }) : () -> ()
    %mul3A_65 = arith.constant 3 : i32
    %mul3A_66 = arith.muli %select_n3A, %mul3A_65 : i32
    %add3A_67 = arith.constant 2 : i32
    %add3A_68 = arith.addi %mul3A_66, %add3A_67 : i32
    %mul3A_69 = arith.constant 1024 : i32
    %mul3A_70 = arith.muli %add3A_68, %mul3A_69 : i32
    %add3A_71 = arith.addi %mul3A_70, %mul3A_32 : i32
    "tpu.region"() ({
      %run_scoped3A = tpu.sem_alloc : memref<!tpu.dma_semaphore, #tpu.memory_space<semaphore_mem>>
      %dma_start3A = tpu.memref_slice %arg4[%add3A_71] : memref<12288xf32, #tpu.memory_space<hbm>> -> memref<128xf32, #tpu.memory_space<hbm>>
      %dma_start3A_104 = tpu.memref_slice %arg4[%add3A_71] : memref<12288xf32, #tpu.memory_space<hbm>> -> memref<128xf32, #tpu.memory_space<hbm>>
      tpu.enqueue_dma source(%dma_start3A_104 : memref<128xf32, #tpu.memory_space<hbm>>) target(%arg12 : memref<128xf32, #tpu.memory_space<vmem>>) target_semaphore(%run_scoped3A : memref<!tpu.dma_semaphore, #tpu.memory_space<semaphore_mem>>)
      %dma_wait3A = tpu.memref_slice %arg4[%add3A_71] : memref<12288xf32, #tpu.memory_space<hbm>> -> memref<128xf32, #tpu.memory_space<hbm>>
      %dma_wait3A_105 = tpu.memref_slice %arg4[%add3A_71] : memref<12288xf32, #tpu.memory_space<hbm>> -> memref<128xf32, #tpu.memory_space<hbm>>
      tpu.wait_dma2 semaphore(%run_scoped3A : memref<!tpu.dma_semaphore, #tpu.memory_space<semaphore_mem>>) src(%dma_wait3A_105 : memref<128xf32, #tpu.memory_space<hbm>>) dst(%arg12 : memref<128xf32, #tpu.memory_space<vmem>>)
      tpu.yield
    }) : () -> ()
    %iota3A = tpu.iota {dimensions = array<i32: 0>} : vector<16xi32>
    %scan3A = arith.constant 0 : i32
    %scan3A_72 = arith.constant 0 : i32
    %scan3A_73 = arith.constant 128 : i32
    %scan3A_74 = arith.addi %scan3A_72, %scan3A_73 : i32
    %scan3A_75 = arith.constant 1 : i32
    scf.for %scan3A_104 = %scan3A_72 to %scan3A_74 step %scan3A_75  : i32 {
      %mul3A_105 = arith.constant 1024 : i32
      %mul3A_106 = arith.muli %select_n3A, %mul3A_105 : i32
      %add3A_107 = arith.addi %mul3A_106, %mul3A_32 : i32
      %add3A_108 = arith.addi %add3A_107, %scan3A_104 : i32
      %mul3A_109 = arith.constant 4096 : i32
      %mul3A_110 = arith.muli %add3A_108, %mul3A_109 : i32
      "tpu.region"() ({
        %run_scoped3A = tpu.sem_alloc : memref<!tpu.dma_semaphore, #tpu.memory_space<semaphore_mem>>
        %dma_start3A = tpu.memref_slice %arg2[%mul3A_110] : memref<16777216xi32, #tpu.memory_space<hbm>> -> memref<4096xi32, #tpu.memory_space<hbm>>
        %dma_start3A_178 = tpu.memref_slice %arg2[%mul3A_110] : memref<16777216xi32, #tpu.memory_space<hbm>> -> memref<4096xi32, #tpu.memory_space<hbm>>
        tpu.enqueue_dma source(%dma_start3A_178 : memref<4096xi32, #tpu.memory_space<hbm>>) target(%arg6 : memref<4096xi32, #tpu.memory_space<vmem>>) target_semaphore(%run_scoped3A : memref<!tpu.dma_semaphore, #tpu.memory_space<semaphore_mem>>)
        %dma_wait3A = tpu.memref_slice %arg2[%mul3A_110] : memref<16777216xi32, #tpu.memory_space<hbm>> -> memref<4096xi32, #tpu.memory_space<hbm>>
        %dma_wait3A_179 = tpu.memref_slice %arg2[%mul3A_110] : memref<16777216xi32, #tpu.memory_space<hbm>> -> memref<4096xi32, #tpu.memory_space<hbm>>
        tpu.wait_dma2 semaphore(%run_scoped3A : memref<!tpu.dma_semaphore, #tpu.memory_space<semaphore_mem>>) src(%dma_wait3A_179 : memref<4096xi32, #tpu.memory_space<hbm>>) dst(%arg6 : memref<4096xi32, #tpu.memory_space<vmem>>)
        tpu.yield
      }) : () -> ()
      %broadcast_in_dim3A = arith.constant 32 : i32
      %broadcast_in_dim3A_111 = vector.broadcast %broadcast_in_dim3A : i32 to vector<16xi32>
      %broadcast_in_dim3A_112 = arith.constant 0 : i32
      %broadcast_in_dim3A_113 = vector.broadcast %broadcast_in_dim3A_112 : i32 to vector<16xi32>
      %scan3A_114 = arith.constant 0 : i32
      %scan3A_115 = arith.constant 16 : i32
      %scan3A_116 = arith.addi %scan3A_114, %scan3A_115 : i32
      %scan3A_117 = arith.constant 1 : i32
      %scan3A_118 = scf.for %scan3A_178 = %scan3A_114 to %scan3A_116 step %scan3A_117 iter_args(%scan3A_179 = %broadcast_in_dim3A_113) -> (vector<16xi32>)  : i32 {
        %reduce_max3A = arith.constant true
        %reduce_max3A_180 = vector.broadcast %reduce_max3A : i1 to vector<16xi1>
        %reduce_max3A_181 = arith.constant -2147483648 : i32
        %reduce_max3A_182 = vector.broadcast %reduce_max3A_181 : i32 to vector<16xi32>
        %reduce_max3A_183 = arith.xori %scan3A_179, %reduce_max3A_182 : vector<16xi32>
        %reduce_max3A_184 = tpu.scan <max>, %reduce_max3A_183 masked %reduce_max3A_180 : vector<16xi32>, vector<16xi1> -> vector<16xi32>
        %reduce_max3A_185 = arith.xori %reduce_max3A_184, %reduce_max3A_182 : vector<16xi32>
        %reduce_max3A_186 = vector.extract %reduce_max3A_185[15] : i32 from vector<16xi32>
        %lt3A_187 = arith.constant 32 : i32
        %lt3A_188 = arith.cmpi slt, %reduce_max3A_186, %lt3A_187 : i32
        %convert_element_type3A = arith.extui %lt3A_188 : i1 to i32
        %cond3A = arith.constant 0 : i32
        %cond3A_189 = arith.cmpi ne, %convert_element_type3A, %cond3A : i32
        scf.if %cond3A_189 {
          %mul3A_192 = arith.constant 16 : i32
          %mul3A_193 = arith.muli %scan3A_178, %mul3A_192 : i32
          %mul3A_194 = arith.constant 16 : i32
          %mul3A_195 = arith.muli %scan3A_178, %mul3A_194 : i32
          %add3A_196 = arith.constant 16 : i32
          %add3A_197 = arith.addi %mul3A_195, %add3A_196 : i32
          %while3A = arith.subi %add3A_197, %mul3A_193 : i32
          %while3A_198 = arith.addi %mul3A_193, %while3A : i32
          %while3A_199 = arith.constant 1 : i32
          %while3A_200 = arith.divsi %while3A, %while3A_199 : i32
          %while3A_201 = arith.muli %while3A_200, %while3A_199 : i32
          %while3A_202 = arith.addi %mul3A_193, %while3A_201 : i32
          %while3A_203 = arith.constant 1 : i32
          %while3A_204 = scf.for %while3A_209 = %mul3A_193 to %while3A_202 step %while3A_203 iter_args(%while3A_210 = %scan3A_179) -> (vector<16xi32>)  : i32 {
            %mul3A_211 = arith.constant 16 : i32
            %mul3A_212 = arith.muli %while3A_209, %mul3A_211 : i32
            %get3A_213 = arith.index_cast %mul3A_212 : i32 to index
            %get3A_214 = tpu.vector_load %arg6[%get3A_213] {strides = array<i32>} : memref<4096xi32, #tpu.memory_space<vmem>>, vector<16xi32>,
            %gt3A = arith.constant 0 : i32
            %gt3A_215 = vector.broadcast %gt3A : i32 to vector<16xi32>
            %gt3A_216 = arith.cmpi sgt, %get3A_214, %gt3A_215 : vector<16xi32>
            %lt3A_217 = arith.cmpi slt, %while3A_210, %broadcast_in_dim3A_111 : vector<16xi32>
            %and3A_218 = arith.andi %gt3A_216, %lt3A_217 : vector<16xi1>
            %mul3A_219 = arith.constant 16 : i32
            %mul3A_220 = arith.muli %while3A_209, %mul3A_219 : i32
            %add3A_221 = vector.broadcast %mul3A_220 : i32 to vector<16xi32>
            %add3A_222 = arith.addi %iota3A, %add3A_221 : vector<16xi32>
            %convert_element_type3A_223 = arith.extui %and3A_218 : vector<16xi1> to vector<16xi32>
            %broadcast_in_dim3A_224 = arith.constant true
            %broadcast_in_dim3A_225 = vector.broadcast %broadcast_in_dim3A_224 : i1 to vector<16xi1>
            %masked_cumsum3A = tpu.scan <sum>, %convert_element_type3A_223 masked %broadcast_in_dim3A_225 : vector<16xi32>, vector<16xi1> -> vector<16xi32>
            %add3A_226 = arith.addi %while3A_210, %masked_cumsum3A : vector<16xi32>
            %sub3A_227 = arith.constant 1 : i32
            %sub3A_228 = vector.broadcast %sub3A_227 : i32 to vector<16xi32>
            %sub3A_229 = arith.subi %add3A_226, %sub3A_228 : vector<16xi32>
            %jit3A_230 = arith.constant 47 : i32
            %broadcast_in_dim3A_231 = vector.broadcast %jit3A_230 : i32 to vector<16xi32>
            %select_n3A_232 = arith.select %and3A_218, %sub3A_229, %broadcast_in_dim3A_231 : vector<16xi1>, vector<16xi32>
            tpu.vector_store_idx %arg13[%select_n3A_232], %add3A_222 : memref<48xi32, #tpu.memory_space<vmem>>[vector<16xi32>], vector<16xi32>,
            %all_reduce_population_count3A = tpu.all_reduce %and3A_218 {dim = 0 : i64, kind = #tpu.reduction_kind<sum>} : vector<16xi1> -> vector<16xi32>
            %add3A_233 = arith.addi %while3A_210, %all_reduce_population_count3A : vector<16xi32>
            scf.yield %add3A_233 : vector<16xi32>
          }
          %while3A_205 = arith.constant 1 : i32
          %while3A_206 = scf.for %while3A_209 = %while3A_202 to %while3A_198 step %while3A_205 iter_args(%while3A_210 = %while3A_204) -> (vector<16xi32>)  : i32 {
            %mul3A_211 = arith.constant 16 : i32
            %mul3A_212 = arith.muli %while3A_209, %mul3A_211 : i32
            %get3A_213 = arith.index_cast %mul3A_212 : i32 to index
            %get3A_214 = tpu.vector_load %arg6[%get3A_213] {strides = array<i32>} : memref<4096xi32, #tpu.memory_space<vmem>>, vector<16xi32>,
            %gt3A = arith.constant 0 : i32
            %gt3A_215 = vector.broadcast %gt3A : i32 to vector<16xi32>
            %gt3A_216 = arith.cmpi sgt, %get3A_214, %gt3A_215 : vector<16xi32>
            %lt3A_217 = arith.cmpi slt, %while3A_210, %broadcast_in_dim3A_111 : vector<16xi32>
            %and3A_218 = arith.andi %gt3A_216, %lt3A_217 : vector<16xi1>
            %mul3A_219 = arith.constant 16 : i32
            %mul3A_220 = arith.muli %while3A_209, %mul3A_219 : i32
            %add3A_221 = vector.broadcast %mul3A_220 : i32 to vector<16xi32>
            %add3A_222 = arith.addi %iota3A, %add3A_221 : vector<16xi32>
            %convert_element_type3A_223 = arith.extui %and3A_218 : vector<16xi1> to vector<16xi32>
            %broadcast_in_dim3A_224 = arith.constant true
            %broadcast_in_dim3A_225 = vector.broadcast %broadcast_in_dim3A_224 : i1 to vector<16xi1>
            %masked_cumsum3A = tpu.scan <sum>, %convert_element_type3A_223 masked %broadcast_in_dim3A_225 : vector<16xi32>, vector<16xi1> -> vector<16xi32>
            %add3A_226 = arith.addi %while3A_210, %masked_cumsum3A : vector<16xi32>
            %sub3A_227 = arith.constant 1 : i32
            %sub3A_228 = vector.broadcast %sub3A_227 : i32 to vector<16xi32>
            %sub3A_229 = arith.subi %add3A_226, %sub3A_228 : vector<16xi32>
            %jit3A_230 = arith.constant 47 : i32
            %broadcast_in_dim3A_231 = vector.broadcast %jit3A_230 : i32 to vector<16xi32>
            %select_n3A_232 = arith.select %and3A_218, %sub3A_229, %broadcast_in_dim3A_231 : vector<16xi1>, vector<16xi32>
            tpu.vector_store_idx %arg13[%select_n3A_232], %add3A_222 : memref<48xi32, #tpu.memory_space<vmem>>[vector<16xi32>], vector<16xi32>,
            %all_reduce_population_count3A = tpu.all_reduce %and3A_218 {dim = 0 : i64, kind = #tpu.reduction_kind<sum>} : vector<16xi1> -> vector<16xi32>
            %add3A_233 = arith.addi %while3A_210, %all_reduce_population_count3A : vector<16xi32>
            scf.yield %add3A_233 : vector<16xi32>
          }
          %swap3A_207 = arith.constant 0 : index
          %swap3A_208 = tpu.vector_load %arg15[%swap3A_207] {strides = array<i32>} : memref<16xi32, #tpu.memory_space<vmem>>, vector<16xi32>,
          tpu.vector_store %arg15[%swap3A_207], %while3A_206 {strides = array<i32>} : memref<16xi32, #tpu.memory_space<vmem>>, vector<16xi32>,
        } else {
        }
        %get3A_190 = arith.constant 0 : index
        %get3A_191 = tpu.vector_load %arg15[%get3A_190] {strides = array<i32>} : memref<16xi32, #tpu.memory_space<vmem>>, vector<16xi32>,
        scf.yield %get3A_191 : vector<16xi32>
      }
      %scan3A_119 = arith.constant 16 : i32
      %broadcast_in_dim3A_120 = arith.constant 0 : i32
      %broadcast_in_dim3A_121 = vector.broadcast %broadcast_in_dim3A_120 : i32 to vector<16xi32>
      %gather3A = tpu.vector_load_idx %arg13[%broadcast_in_dim3A_121] : memref<48xi32, #tpu.memory_space<vmem>>[vector<16xi32>], vector<16xi32>,
      %broadcast_in_dim3A_122 = vector.broadcast %scan3A_104 : i32 to vector<16xi32>
      %gather3A_123 = tpu.vector_load_idx %arg10[%broadcast_in_dim3A_122] : memref<128xf32, #tpu.memory_space<vmem>>[vector<16xi32>], vector<16xf32>,
      %gather3A_124 = tpu.vector_load_idx %arg11[%broadcast_in_dim3A_122] : memref<128xf32, #tpu.memory_space<vmem>>[vector<16xi32>], vector<16xf32>,
      %gather3A_125 = tpu.vector_load_idx %arg12[%broadcast_in_dim3A_122] : memref<128xf32, #tpu.memory_space<vmem>>[vector<16xi32>], vector<16xf32>,
      %get3A = arith.constant 0 : index
      %get3A_126 = tpu.vector_load %arg13[%get3A] {strides = array<i32>} : memref<48xi32, #tpu.memory_space<vmem>>, vector<16xi32>,
      %add3A_127 = arith.constant 0 : i32
      %add3A_128 = vector.broadcast %add3A_127 : i32 to vector<16xi32>
      %add3A_129 = arith.addi %iota3A, %add3A_128 : vector<16xi32>
      %lt3A_130 = arith.cmpi slt, %add3A_129, %scan3A_118 : vector<16xi32>
      %select_n3A_131 = arith.select %lt3A_130, %get3A_126, %gather3A : vector<16xi1>, vector<16xi32>
      %mul3A_132 = arith.constant 32 : i32
      %mul3A_133 = arith.muli %scan3A_104, %mul3A_132 : i32
      %add3A_134 = arith.constant 0 : i32
      %add3A_135 = arith.addi %mul3A_133, %add3A_134 : i32
      %gather3A_136 = tpu.vector_load_idx %arg7[%select_n3A_131] : memref<4096xf32, #tpu.memory_space<vmem>>[vector<16xi32>], vector<16xf32>,
      %sub3A_137 = arith.subf %gather3A_136, %gather3A_123 : vector<16xf32>
      %swap3A = arith.index_cast %add3A_135 : i32 to index
      %swap3A_138 = tpu.vector_load %arg14[%swap3A] {strides = array<i32>} : memref<12288xf32, #tpu.memory_space<vmem>>, vector<16xf32>,
      tpu.vector_store %arg14[%swap3A], %sub3A_137 {strides = array<i32>} : memref<12288xf32, #tpu.memory_space<vmem>>, vector<16xf32>,
      %gather3A_139 = tpu.vector_load_idx %arg8[%select_n3A_131] : memref<4096xf32, #tpu.memory_space<vmem>>[vector<16xi32>], vector<16xf32>,
      %sub3A_140 = arith.subf %gather3A_139, %gather3A_124 : vector<16xf32>
      %add3A_141 = arith.constant 4096 : i32
      %add3A_142 = arith.addi %add3A_141, %add3A_135 : i32
      %swap3A_143 = arith.index_cast %add3A_142 : i32 to index
      %swap3A_144 = tpu.vector_load %arg14[%swap3A_143] {strides = array<i32>} : memref<12288xf32, #tpu.memory_space<vmem>>, vector<16xf32>,
      tpu.vector_store %arg14[%swap3A_143], %sub3A_140 {strides = array<i32>} : memref<12288xf32, #tpu.memory_space<vmem>>, vector<16xf32>,
      %gather3A_145 = tpu.vector_load_idx %arg9[%select_n3A_131] : memref<4096xf32, #tpu.memory_space<vmem>>[vector<16xi32>], vector<16xf32>,
      %sub3A_146 = arith.subf %gather3A_145, %gather3A_125 : vector<16xf32>
      %add3A_147 = arith.constant 8192 : i32
      %add3A_148 = arith.addi %add3A_147, %add3A_135 : i32
      %swap3A_149 = arith.index_cast %add3A_148 : i32 to index
      %swap3A_150 = tpu.vector_load %arg14[%swap3A_149] {strides = array<i32>} : memref<12288xf32, #tpu.memory_space<vmem>>, vector<16xf32>,
      tpu.vector_store %arg14[%swap3A_149], %sub3A_146 {strides = array<i32>} : memref<12288xf32, #tpu.memory_space<vmem>>, vector<16xf32>,
      %get3A_151 = arith.constant 16 : index
      %get3A_152 = tpu.vector_load %arg13[%get3A_151] {strides = array<i32>} : memref<48xi32, #tpu.memory_space<vmem>>, vector<16xi32>,
      %add3A_153 = arith.constant 16 : i32
      %add3A_154 = vector.broadcast %add3A_153 : i32 to vector<16xi32>
      %add3A_155 = arith.addi %iota3A, %add3A_154 : vector<16xi32>
      %lt3A_156 = arith.cmpi slt, %add3A_155, %scan3A_118 : vector<16xi32>
      %select_n3A_157 = arith.select %lt3A_156, %get3A_152, %gather3A : vector<16xi1>, vector<16xi32>
      %mul3A_158 = arith.constant 32 : i32
      %mul3A_159 = arith.muli %scan3A_104, %mul3A_158 : i32
      %add3A_160 = arith.constant 16 : i32
      %add3A_161 = arith.addi %mul3A_159, %add3A_160 : i32
      %gather3A_162 = tpu.vector_load_idx %arg7[%select_n3A_157] : memref<4096xf32, #tpu.memory_space<vmem>>[vector<16xi32>], vector<16xf32>,
      %sub3A_163 = arith.subf %gather3A_162, %gather3A_123 : vector<16xf32>
      %swap3A_164 = arith.index_cast %add3A_161 : i32 to index
      %swap3A_165 = tpu.vector_load %arg14[%swap3A_164] {strides = array<i32>} : memref<12288xf32, #tpu.memory_space<vmem>>, vector<16xf32>,
      tpu.vector_store %arg14[%swap3A_164], %sub3A_163 {strides = array<i32>} : memref<12288xf32, #tpu.memory_space<vmem>>, vector<16xf32>,
      %gather3A_166 = tpu.vector_load_idx %arg8[%select_n3A_157] : memref<4096xf32, #tpu.memory_space<vmem>>[vector<16xi32>], vector<16xf32>,
      %sub3A_167 = arith.subf %gather3A_166, %gather3A_124 : vector<16xf32>
      %add3A_168 = arith.constant 4096 : i32
      %add3A_169 = arith.addi %add3A_168, %add3A_161 : i32
      %swap3A_170 = arith.index_cast %add3A_169 : i32 to index
      %swap3A_171 = tpu.vector_load %arg14[%swap3A_170] {strides = array<i32>} : memref<12288xf32, #tpu.memory_space<vmem>>, vector<16xf32>,
      tpu.vector_store %arg14[%swap3A_170], %sub3A_167 {strides = array<i32>} : memref<12288xf32, #tpu.memory_space<vmem>>, vector<16xf32>,
      %gather3A_172 = tpu.vector_load_idx %arg9[%select_n3A_157] : memref<4096xf32, #tpu.memory_space<vmem>>[vector<16xi32>], vector<16xf32>,
      %sub3A_173 = arith.subf %gather3A_172, %gather3A_125 : vector<16xf32>
      %add3A_174 = arith.constant 8192 : i32
      %add3A_175 = arith.addi %add3A_174, %add3A_161 : i32
      %swap3A_176 = arith.index_cast %add3A_175 : i32 to index
      %swap3A_177 = tpu.vector_load %arg14[%swap3A_176] {strides = array<i32>} : memref<12288xf32, #tpu.memory_space<vmem>>, vector<16xf32>,
      tpu.vector_store %arg14[%swap3A_176], %sub3A_173 {strides = array<i32>} : memref<12288xf32, #tpu.memory_space<vmem>>, vector<16xf32>,
    }
    %scan3A_76 = arith.constant 128 : i32
    %mul3A_77 = arith.constant 3 : i32
    %mul3A_78 = arith.muli %select_n3A, %mul3A_77 : i32
    %add3A_79 = arith.constant 0 : i32
    %add3A_80 = arith.addi %mul3A_78, %add3A_79 : i32
    %mul3A_81 = arith.constant 1024 : i32
    %mul3A_82 = arith.muli %add3A_80, %mul3A_81 : i32
    %add3A_83 = arith.addi %mul3A_82, %mul3A_32 : i32
    %mul3A_84 = arith.constant 32 : i32
    %mul3A_85 = arith.muli %add3A_83, %mul3A_84 : i32
    "tpu.region"() ({
      %run_scoped3A = tpu.sem_alloc : memref<!tpu.dma_semaphore, #tpu.memory_space<semaphore_mem>>
      %dma_start3A = arith.constant 0 : i32
      %dma_start3A_104 = tpu.memref_slice %arg14[%dma_start3A] : memref<12288xf32, #tpu.memory_space<vmem>> -> memref<4096xf32, #tpu.memory_space<vmem>>
      %dma_start3A_105 = tpu.memref_slice %arg5[%mul3A_85] : memref<393216xf32, #tpu.memory_space<hbm>> -> memref<4096xf32, #tpu.memory_space<hbm>>
      %dma_start3A_106 = tpu.memref_slice %arg5[%mul3A_85] : memref<393216xf32, #tpu.memory_space<hbm>> -> memref<4096xf32, #tpu.memory_space<hbm>>
      %dma_start3A_107 = arith.constant 0 : i32
      %dma_start3A_108 = tpu.memref_slice %arg14[%dma_start3A_107] : memref<12288xf32, #tpu.memory_space<vmem>> -> memref<4096xf32, #tpu.memory_space<vmem>>
      tpu.enqueue_dma source(%dma_start3A_108 : memref<4096xf32, #tpu.memory_space<vmem>>) target(%dma_start3A_106 : memref<4096xf32, #tpu.memory_space<hbm>>) target_semaphore(%run_scoped3A : memref<!tpu.dma_semaphore, #tpu.memory_space<semaphore_mem>>)
      %dma_wait3A = arith.constant 0 : i32
      %dma_wait3A_109 = tpu.memref_slice %arg14[%dma_wait3A] : memref<12288xf32, #tpu.memory_space<vmem>> -> memref<4096xf32, #tpu.memory_space<vmem>>
      %dma_wait3A_110 = tpu.memref_slice %arg5[%mul3A_85] : memref<393216xf32, #tpu.memory_space<hbm>> -> memref<4096xf32, #tpu.memory_space<hbm>>
      %dma_wait3A_111 = tpu.memref_slice %arg5[%mul3A_85] : memref<393216xf32, #tpu.memory_space<hbm>> -> memref<4096xf32, #tpu.memory_space<hbm>>
      %dma_wait3A_112 = arith.constant 0 : i32
      %dma_wait3A_113 = tpu.memref_slice %arg14[%dma_wait3A_112] : memref<12288xf32, #tpu.memory_space<vmem>> -> memref<4096xf32, #tpu.memory_space<vmem>>
      tpu.wait_dma2 semaphore(%run_scoped3A : memref<!tpu.dma_semaphore, #tpu.memory_space<semaphore_mem>>) src(%dma_wait3A_113 : memref<4096xf32, #tpu.memory_space<vmem>>) dst(%dma_wait3A_111 : memref<4096xf32, #tpu.memory_space<hbm>>)
      tpu.yield
    }) : () -> ()
    %mul3A_86 = arith.constant 3 : i32
    %mul3A_87 = arith.muli %select_n3A, %mul3A_86 : i32
    %add3A_88 = arith.constant 1 : i32
    %add3A_89 = arith.addi %mul3A_87, %add3A_88 : i32
    %mul3A_90 = arith.constant 1024 : i32
    %mul3A_91 = arith.muli %add3A_89, %mul3A_90 : i32
    %add3A_92 = arith.addi %mul3A_91, %mul3A_32 : i32
    %mul3A_93 = arith.constant 32 : i32
    %mul3A_94 = arith.muli %add3A_92, %mul3A_93 : i32
    "tpu.region"() ({
      %run_scoped3A = tpu.sem_alloc : memref<!tpu.dma_semaphore, #tpu.memory_space<semaphore_mem>>
      %dma_start3A = arith.constant 4096 : i32
      %dma_start3A_104 = tpu.memref_slice %arg14[%dma_start3A] : memref<12288xf32, #tpu.memory_space<vmem>> -> memref<4096xf32, #tpu.memory_space<vmem>>
      %dma_start3A_105 = tpu.memref_slice %arg5[%mul3A_94] : memref<393216xf32, #tpu.memory_space<hbm>> -> memref<4096xf32, #tpu.memory_space<hbm>>
      %dma_start3A_106 = tpu.memref_slice %arg5[%mul3A_94] : memref<393216xf32, #tpu.memory_space<hbm>> -> memref<4096xf32, #tpu.memory_space<hbm>>
      %dma_start3A_107 = arith.constant 4096 : i32
      %dma_start3A_108 = tpu.memref_slice %arg14[%dma_start3A_107] : memref<12288xf32, #tpu.memory_space<vmem>> -> memref<4096xf32, #tpu.memory_space<vmem>>
      tpu.enqueue_dma source(%dma_start3A_108 : memref<4096xf32, #tpu.memory_space<vmem>>) target(%dma_start3A_106 : memref<4096xf32, #tpu.memory_space<hbm>>) target_semaphore(%run_scoped3A : memref<!tpu.dma_semaphore, #tpu.memory_space<semaphore_mem>>)
      %dma_wait3A = arith.constant 4096 : i32
      %dma_wait3A_109 = tpu.memref_slice %arg14[%dma_wait3A] : memref<12288xf32, #tpu.memory_space<vmem>> -> memref<4096xf32, #tpu.memory_space<vmem>>
      %dma_wait3A_110 = tpu.memref_slice %arg5[%mul3A_94] : memref<393216xf32, #tpu.memory_space<hbm>> -> memref<4096xf32, #tpu.memory_space<hbm>>
      %dma_wait3A_111 = tpu.memref_slice %arg5[%mul3A_94] : memref<393216xf32, #tpu.memory_space<hbm>> -> memref<4096xf32, #tpu.memory_space<hbm>>
      %dma_wait3A_112 = arith.constant 4096 : i32
      %dma_wait3A_113 = tpu.memref_slice %arg14[%dma_wait3A_112] : memref<12288xf32, #tpu.memory_space<vmem>> -> memref<4096xf32, #tpu.memory_space<vmem>>
      tpu.wait_dma2 semaphore(%run_scoped3A : memref<!tpu.dma_semaphore, #tpu.memory_space<semaphore_mem>>) src(%dma_wait3A_113 : memref<4096xf32, #tpu.memory_space<vmem>>) dst(%dma_wait3A_111 : memref<4096xf32, #tpu.memory_space<hbm>>)
      tpu.yield
    }) : () -> ()
    %mul3A_95 = arith.constant 3 : i32
    %mul3A_96 = arith.muli %select_n3A, %mul3A_95 : i32
    %add3A_97 = arith.constant 2 : i32
    %add3A_98 = arith.addi %mul3A_96, %add3A_97 : i32
    %mul3A_99 = arith.constant 1024 : i32
    %mul3A_100 = arith.muli %add3A_98, %mul3A_99 : i32
    %add3A_101 = arith.addi %mul3A_100, %mul3A_32 : i32
    %mul3A_102 = arith.constant 32 : i32
    %mul3A_103 = arith.muli %add3A_101, %mul3A_102 : i32
    "tpu.region"() ({
      %run_scoped3A = tpu.sem_alloc : memref<!tpu.dma_semaphore, #tpu.memory_space<semaphore_mem>>
      %dma_start3A = arith.constant 8192 : i32
      %dma_start3A_104 = tpu.memref_slice %arg14[%dma_start3A] : memref<12288xf32, #tpu.memory_space<vmem>> -> memref<4096xf32, #tpu.memory_space<vmem>>
      %dma_start3A_105 = tpu.memref_slice %arg5[%mul3A_103] : memref<393216xf32, #tpu.memory_space<hbm>> -> memref<4096xf32, #tpu.memory_space<hbm>>
      %dma_start3A_106 = tpu.memref_slice %arg5[%mul3A_103] : memref<393216xf32, #tpu.memory_space<hbm>> -> memref<4096xf32, #tpu.memory_space<hbm>>
      %dma_start3A_107 = arith.constant 8192 : i32
      %dma_start3A_108 = tpu.memref_slice %arg14[%dma_start3A_107] : memref<12288xf32, #tpu.memory_space<vmem>> -> memref<4096xf32, #tpu.memory_space<vmem>>
      tpu.enqueue_dma source(%dma_start3A_108 : memref<4096xf32, #tpu.memory_space<vmem>>) target(%dma_start3A_106 : memref<4096xf32, #tpu.memory_space<hbm>>) target_semaphore(%run_scoped3A : memref<!tpu.dma_semaphore, #tpu.memory_space<semaphore_mem>>)
      %dma_wait3A = arith.constant 8192 : i32
      %dma_wait3A_109 = tpu.memref_slice %arg14[%dma_wait3A] : memref<12288xf32, #tpu.memory_space<vmem>> -> memref<4096xf32, #tpu.memory_space<vmem>>
      %dma_wait3A_110 = tpu.memref_slice %arg5[%mul3A_103] : memref<393216xf32, #tpu.memory_space<hbm>> -> memref<4096xf32, #tpu.memory_space<hbm>>
      %dma_wait3A_111 = tpu.memref_slice %arg5[%mul3A_103] : memref<393216xf32, #tpu.memory_space<hbm>> -> memref<4096xf32, #tpu.memory_space<hbm>>
      %dma_wait3A_112 = arith.constant 8192 : i32
      %dma_wait3A_113 = tpu.memref_slice %arg14[%dma_wait3A_112] : memref<12288xf32, #tpu.memory_space<vmem>> -> memref<4096xf32, #tpu.memory_space<vmem>>
      tpu.wait_dma2 semaphore(%run_scoped3A : memref<!tpu.dma_semaphore, #tpu.memory_space<semaphore_mem>>) src(%dma_wait3A_113 : memref<4096xf32, #tpu.memory_space<vmem>>) dst(%dma_wait3A_111 : memref<4096xf32, #tpu.memory_space<hbm>>)
      tpu.yield
    }) : () -> ()
    return
  }
}

module attributes {stable_mosaic.version = 14 : i64} {
  func.func @_fps_kernel(%arg0: memref<4x32x128xf32, #tpu.memory_space<vmem>>, %arg1: memref<4x32x128xf32, #tpu.memory_space<vmem>>, %arg2: memref<4x32x128xf32, #tpu.memory_space<vmem>>, %arg3: memref<1024x4xf32, #tpu.memory_space<vmem>>, %arg4: memref<1024x4xf32, #tpu.memory_space<vmem>>, %arg5: memref<1024x4xf32, #tpu.memory_space<vmem>>) attributes {dimension_semantics = [], scalar_prefetch = 0 : i64, scratch_operands = 0 : i64, tpu.core_type = #tpu.core_type<tc>} {
    %get3A = arith.constant 0 : index
    %get3A_0 = arith.constant 0 : index
    %get3A_1 = arith.constant 0 : index
    %get3A_2 = vector.load %arg0[%get3A, %get3A_0, %get3A_1] : memref<4x32x128xf32, #tpu.memory_space<vmem>>, vector<4x32x128xf32>
    %get3A_3 = arith.constant 0 : index
    %get3A_4 = arith.constant 0 : index
    %get3A_5 = arith.constant 0 : index
    %get3A_6 = vector.load %arg1[%get3A_3, %get3A_4, %get3A_5] : memref<4x32x128xf32, #tpu.memory_space<vmem>>, vector<4x32x128xf32>
    %get3A_7 = arith.constant 0 : index
    %get3A_8 = arith.constant 0 : index
    %get3A_9 = arith.constant 0 : index
    %get3A_10 = vector.load %arg2[%get3A_7, %get3A_8, %get3A_9] : memref<4x32x128xf32, #tpu.memory_space<vmem>>, vector<4x32x128xf32>
    %iota3A = tpu.iota {dimensions = array<i32: 1>} : vector<4x32x128xi32>
    %mul3A = arith.constant 128 : i32
    %mul3A_11 = vector.broadcast %mul3A : i32 to vector<4x32x128xi32>
    %mul3A_12 = arith.muli %iota3A, %mul3A_11 : vector<4x32x128xi32>
    %iota3A_13 = tpu.iota {dimensions = array<i32: 2>} : vector<4x32x128xi32>
    %add3A = arith.addi %mul3A_12, %iota3A_13 : vector<4x32x128xi32>
    %broadcast_in_dim3A = arith.constant 1.000000e+10 : f32
    %broadcast_in_dim3A_14 = vector.broadcast %broadcast_in_dim3A : f32 to vector<4x32x128xf32>
    %broadcast_in_dim3A_15 = arith.constant 0 : i32
    %broadcast_in_dim3A_16 = vector.broadcast %broadcast_in_dim3A_15 : i32 to vector<4x1x1xi32>
    %scan3A = arith.constant 0 : i32
    %scan3A_17 = arith.constant 1024 : i32
    %scan3A_18 = arith.addi %scan3A, %scan3A_17 : i32
    %scan3A_19 = arith.constant 1 : i32
    %scan3A_20:2 = scf.for %scan3A_22 = %scan3A to %scan3A_18 step %scan3A_19 iter_args(%scan3A_23 = %broadcast_in_dim3A_14, %scan3A_24 = %broadcast_in_dim3A_16) -> (vector<4x32x128xf32>, vector<4x1x1xi32>)  : i32 {
      %eq3A = vector.broadcast %scan3A_24 : vector<4x1x1xi32> to vector<4x32x128xi32>
      %eq3A_25 = arith.cmpi eq, %add3A, %eq3A : vector<4x32x128xi32>
      %jit3A = arith.constant 0.000000e+00 : f32
      %broadcast_in_dim3A_26 = vector.broadcast %jit3A : f32 to vector<4x32x128xf32>
      %select_n3A = arith.select %eq3A_25, %get3A_2, %broadcast_in_dim3A_26 : vector<4x32x128xi1>, vector<4x32x128xf32>
      %reduce_sum3A = arith.constant dense<0.000000e+00> : vector<4xf32>
      %reduce_sum3A_27 = vector.multi_reduction <add>, %select_n3A, %reduce_sum3A [1, 2] : vector<4x32x128xf32> to vector<4xf32>
      %jit3A_28 = arith.constant 0.000000e+00 : f32
      %broadcast_in_dim3A_29 = vector.broadcast %jit3A_28 : f32 to vector<4x32x128xf32>
      %select_n3A_30 = arith.select %eq3A_25, %get3A_6, %broadcast_in_dim3A_29 : vector<4x32x128xi1>, vector<4x32x128xf32>
      %reduce_sum3A_31 = arith.constant dense<0.000000e+00> : vector<4xf32>
      %reduce_sum3A_32 = vector.multi_reduction <add>, %select_n3A_30, %reduce_sum3A_31 [1, 2] : vector<4x32x128xf32> to vector<4xf32>
      %jit3A_33 = arith.constant 0.000000e+00 : f32
      %broadcast_in_dim3A_34 = vector.broadcast %jit3A_33 : f32 to vector<4x32x128xf32>
      %select_n3A_35 = arith.select %eq3A_25, %get3A_10, %broadcast_in_dim3A_34 : vector<4x32x128xi1>, vector<4x32x128xf32>
      %reduce_sum3A_36 = arith.constant dense<0.000000e+00> : vector<4xf32>
      %reduce_sum3A_37 = vector.multi_reduction <add>, %select_n3A_35, %reduce_sum3A_36 [1, 2] : vector<4x32x128xf32> to vector<4xf32>
      %reshape3A = vector.shape_cast %reduce_sum3A_27 : vector<4xf32> to vector<1x4xf32>
      %swap3A = arith.index_cast %scan3A_22 : i32 to index
      %swap3A_38 = arith.constant 0 : index
      %swap3A_39 = vector.load %arg3[%swap3A, %swap3A_38] : memref<1024x4xf32, #tpu.memory_space<vmem>>, vector<1x4xf32>
      tpu.vector_store %arg3[%swap3A, %swap3A_38], %reshape3A {strides = array<i32>} : memref<1024x4xf32, #tpu.memory_space<vmem>>, vector<1x4xf32>,
      %reshape3A_40 = vector.shape_cast %reduce_sum3A_32 : vector<4xf32> to vector<1x4xf32>
      %swap3A_41 = arith.index_cast %scan3A_22 : i32 to index
      %swap3A_42 = arith.constant 0 : index
      %swap3A_43 = vector.load %arg4[%swap3A_41, %swap3A_42] : memref<1024x4xf32, #tpu.memory_space<vmem>>, vector<1x4xf32>
      tpu.vector_store %arg4[%swap3A_41, %swap3A_42], %reshape3A_40 {strides = array<i32>} : memref<1024x4xf32, #tpu.memory_space<vmem>>, vector<1x4xf32>,
      %reshape3A_44 = vector.shape_cast %reduce_sum3A_37 : vector<4xf32> to vector<1x4xf32>
      %swap3A_45 = arith.index_cast %scan3A_22 : i32 to index
      %swap3A_46 = arith.constant 0 : index
      %swap3A_47 = vector.load %arg5[%swap3A_45, %swap3A_46] : memref<1024x4xf32, #tpu.memory_space<vmem>>, vector<1x4xf32>
      tpu.vector_store %arg5[%swap3A_45, %swap3A_46], %reshape3A_44 {strides = array<i32>} : memref<1024x4xf32, #tpu.memory_space<vmem>>, vector<1x4xf32>,
      %reshape3A_48 = vector.shape_cast %reduce_sum3A_27 : vector<4xf32> to vector<4x1x1xf32>
      %sub3A = vector.broadcast %reshape3A_48 : vector<4x1x1xf32> to vector<4x32x128xf32>
      %sub3A_49 = arith.subf %get3A_2, %sub3A : vector<4x32x128xf32>
      %reshape3A_50 = vector.shape_cast %reduce_sum3A_32 : vector<4xf32> to vector<4x1x1xf32>
      %sub3A_51 = vector.broadcast %reshape3A_50 : vector<4x1x1xf32> to vector<4x32x128xf32>
      %sub3A_52 = arith.subf %get3A_6, %sub3A_51 : vector<4x32x128xf32>
      %reshape3A_53 = vector.shape_cast %reduce_sum3A_37 : vector<4xf32> to vector<4x1x1xf32>
      %sub3A_54 = vector.broadcast %reshape3A_53 : vector<4x1x1xf32> to vector<4x32x128xf32>
      %sub3A_55 = arith.subf %get3A_10, %sub3A_54 : vector<4x32x128xf32>
      %mul3A_56 = arith.mulf %sub3A_49, %sub3A_49 : vector<4x32x128xf32>
      %mul3A_57 = arith.mulf %sub3A_52, %sub3A_52 : vector<4x32x128xf32>
      %add3A_58 = arith.addf %mul3A_56, %mul3A_57 : vector<4x32x128xf32>
      %mul3A_59 = arith.mulf %sub3A_55, %sub3A_55 : vector<4x32x128xf32>
      %add3A_60 = arith.addf %add3A_58, %mul3A_59 : vector<4x32x128xf32>
      %min3A = arith.minimumf %scan3A_23, %add3A_60 : vector<4x32x128xf32>
      %reduce_max3A = arith.constant dense<0xFF800000> : vector<4xf32>
      %reduce_max3A_61 = vector.multi_reduction <maximumf>, %min3A, %reduce_max3A [1, 2] : vector<4x32x128xf32> to vector<4xf32>
      %reshape3A_62 = vector.shape_cast %reduce_max3A_61 : vector<4xf32> to vector<4x1x1xf32>
      %eq3A_63 = vector.broadcast %reshape3A_62 : vector<4x1x1xf32> to vector<4x32x128xf32>
      %eq3A_64 = arith.cmpf oeq, %min3A, %eq3A_63 : vector<4x32x128xf32>
      %jit3A_65 = arith.constant 1073741824 : i32
      %broadcast_in_dim3A_66 = vector.broadcast %jit3A_65 : i32 to vector<4x32x128xi32>
      %select_n3A_67 = arith.select %eq3A_64, %add3A, %broadcast_in_dim3A_66 : vector<4x32x128xi1>, vector<4x32x128xi32>
      %reduce_min3A = arith.constant dense<2147483647> : vector<4xi32>
      %reduce_min3A_68 = vector.multi_reduction <minsi>, %select_n3A_67, %reduce_min3A [1, 2] : vector<4x32x128xi32> to vector<4xi32>
      %reshape3A_69 = vector.shape_cast %reduce_min3A_68 : vector<4xi32> to vector<4x1x1xi32>
      scf.yield %min3A, %reshape3A_69 : vector<4x32x128xf32>, vector<4x1x1xi32>
    }
    %scan3A_21 = arith.constant 1024 : i32
    return
  }
}

module attributes {stable_mosaic.version = 14 : i64} {
  func.func @_mask_kernel(%arg0: i32, %arg1: i32, %arg2: memref<1x256x3xf32, #tpu.memory_space<vmem>>, %arg3: memref<1x3x4096xf32, #tpu.memory_space<vmem>>, %arg4: memref<1x256x4096xi32, #tpu.memory_space<vmem>>) attributes {dimension_semantics = [#tpu.dimension_semantics<arbitrary>, #tpu.dimension_semantics<arbitrary>], iteration_bounds = array<i64: 4, 4>, scalar_prefetch = 0 : i64, scratch_operands = 0 : i64, tpu.core_type = #tpu.core_type<tc>, window_params = [{transform_indices = @transform_0, window_bounds = array<i64: 1, 256, 3>}, {transform_indices = @transform_1, window_bounds = array<i64: 1, 3, 4096>}, {transform_indices = @transform_2, window_bounds = array<i64: 1, 256, 4096>}]} {
    %get3A = arith.constant 0 : index
    %get3A_0 = arith.constant 0 : index
    %get3A_1 = arith.constant 0 : index
    %get3A_2 = vector.load %arg2[%get3A, %get3A_0, %get3A_1] : memref<1x256x3xf32, #tpu.memory_space<vmem>>, vector<1x256x3xf32>
    %reshape3A = vector.shape_cast %get3A_2 : vector<1x256x3xf32> to vector<256x3xf32>
    %get3A_3 = arith.constant 0 : index
    %get3A_4 = arith.constant 0 : index
    %get3A_5 = arith.constant 0 : index
    %get3A_6 = vector.load %arg3[%get3A_3, %get3A_4, %get3A_5] : memref<1x3x4096xf32, #tpu.memory_space<vmem>>, vector<1x3x4096xf32>
    %reshape3A_7 = vector.shape_cast %get3A_6 : vector<1x3x4096xf32> to vector<3x4096xf32>
    %mul3A = arith.mulf %reshape3A, %reshape3A : vector<256x3xf32>
    %reduce_sum3A = arith.constant dense<0.000000e+00> : vector<256xf32>
    %reduce_sum3A_8 = vector.multi_reduction <add>, %mul3A, %reduce_sum3A [1] : vector<256x3xf32> to vector<256xf32>
    %broadcast_in_dim3A = vector.shape_cast %reduce_sum3A_8 : vector<256xf32> to vector<256x1xf32>
    %mul3A_9 = arith.mulf %reshape3A_7, %reshape3A_7 : vector<3x4096xf32>
    %reduce_sum3A_10 = arith.constant dense<0.000000e+00> : vector<4096xf32>
    %reduce_sum3A_11 = vector.multi_reduction <add>, %mul3A_9, %reduce_sum3A_10 [0] : vector<3x4096xf32> to vector<4096xf32>
    %broadcast_in_dim3A_12 = vector.shape_cast %reduce_sum3A_11 : vector<4096xf32> to vector<1x4096xf32>
    %dot_general3A = arith.constant dense<0.000000e+00> : vector<256x4096xf32>
    %dot_general3A_13 = tpu.matmul %reshape3A, %reshape3A_7, %dot_general3A {dimension_numbers = #tpu.dot_dimension_numbers<[1], [0], [0], [1], [0, 0, 1, 1], [], []>, transpose_lhs_hint = false} : vector<256x3xf32>, vector<3x4096xf32>, vector<256x4096xf32> -> vector<256x4096xf32>
    %add3A = vector.broadcast %broadcast_in_dim3A : vector<256x1xf32> to vector<256x4096xf32>
    %add3A_14 = vector.broadcast %broadcast_in_dim3A_12 : vector<1x4096xf32> to vector<256x4096xf32>
    %add3A_15 = arith.addf %add3A, %add3A_14 : vector<256x4096xf32>
    %mul3A_16 = arith.constant 2.000000e+00 : f32
    %mul3A_17 = vector.broadcast %mul3A_16 : f32 to vector<256x4096xf32>
    %mul3A_18 = arith.mulf %mul3A_17, %dot_general3A_13 : vector<256x4096xf32>
    %sub3A = arith.subf %add3A_15, %mul3A_18 : vector<256x4096xf32>
    %gt3A = arith.constant 4.000000e-02 : f32
    %gt3A_19 = vector.broadcast %gt3A : f32 to vector<256x4096xf32>
    %gt3A_20 = arith.cmpf ogt, %sub3A, %gt3A_19 : vector<256x4096xf32>
    %not3A = arith.constant dense<true> : vector<256x4096xi1>
    %not3A_21 = arith.xori %gt3A_20, %not3A : vector<256x4096xi1>
    %convert_element_type3A = arith.extui %not3A_21 : vector<256x4096xi1> to vector<256x4096xi32>
    %reshape3A_22 = vector.shape_cast %convert_element_type3A : vector<256x4096xi32> to vector<1x256x4096xi32>
    %swap3A = arith.constant 0 : index
    %swap3A_23 = arith.constant 0 : index
    %swap3A_24 = arith.constant 0 : index
    %swap3A_25 = vector.load %arg4[%swap3A, %swap3A_23, %swap3A_24] : memref<1x256x4096xi32, #tpu.memory_space<vmem>>, vector<1x256x4096xi32>
    tpu.vector_store %arg4[%swap3A, %swap3A_23, %swap3A_24], %reshape3A_22 {strides = array<i32>} : memref<1x256x4096xi32, #tpu.memory_space<vmem>>, vector<1x256x4096xi32>,
    return
  }
  func.func @transform_0(%arg0: i32, %arg1: i32) -> (i32, i32, i32) {
    %c0_i32 = arith.constant 0 : i32
    %c0_i32_0 = arith.constant 0 : i32
    return %arg0, %arg1, %c0_i32 : i32, i32, i32
  }
  func.func @transform_1(%arg0: i32, %arg1: i32) -> (i32, i32, i32) {
    %c0_i32 = arith.constant 0 : i32
    %c0_i32_0 = arith.constant 0 : i32
    %c0_i32_1 = arith.constant 0 : i32
    return %arg0, %c0_i32, %c0_i32_0 : i32, i32, i32
  }
  func.func @transform_2(%arg0: i32, %arg1: i32) -> (i32, i32, i32) {
    %c0_i32 = arith.constant 0 : i32
    %c0_i32_0 = arith.constant 0 : i32
    return %arg0, %arg1, %c0_i32 : i32, i32, i32
  }
}

module attributes {stable_mosaic.version = 14 : i64} {
  func.func @_mlp_kernel(%arg0: i32, %arg1: i32, %arg2: memref<1x3x8192xf32, #tpu.memory_space<vmem>>, %arg3: memref<64x3xf32, #tpu.memory_space<vmem>>, %arg4: memref<64x64xf32, #tpu.memory_space<vmem>>, %arg5: memref<128x64xf32, #tpu.memory_space<vmem>>, %arg6: memref<64x1xf32, #tpu.memory_space<vmem>>, %arg7: memref<64x1xf32, #tpu.memory_space<vmem>>, %arg8: memref<128x1xf32, #tpu.memory_space<vmem>>, %arg9: memref<1x128x256xf32, #tpu.memory_space<vmem>>) attributes {dimension_semantics = [#tpu.dimension_semantics<arbitrary>, #tpu.dimension_semantics<arbitrary>], iteration_bounds = array<i64: 4, 4>, scalar_prefetch = 0 : i64, scratch_operands = 0 : i64, tpu.core_type = #tpu.core_type<tc>, window_params = [{transform_indices = @transform_0, window_bounds = array<i64: 1, 3, 8192>}, {pipeline_mode = #tpu.pipeline_mode<synchronous>, transform_indices = @transform_1, window_bounds = array<i64: 64, 3>}, {pipeline_mode = #tpu.pipeline_mode<synchronous>, transform_indices = @transform_2, window_bounds = array<i64: 64, 64>}, {pipeline_mode = #tpu.pipeline_mode<synchronous>, transform_indices = @transform_3, window_bounds = array<i64: 128, 64>}, {pipeline_mode = #tpu.pipeline_mode<synchronous>, transform_indices = @transform_4, window_bounds = array<i64: 64, 1>}, {pipeline_mode = #tpu.pipeline_mode<synchronous>, transform_indices = @transform_5, window_bounds = array<i64: 64, 1>}, {pipeline_mode = #tpu.pipeline_mode<synchronous>, transform_indices = @transform_6, window_bounds = array<i64: 128, 1>}, {transform_indices = @transform_7, window_bounds = array<i64: 1, 128, 256>}]} {
    %get3A = arith.constant 0 : index
    %get3A_0 = arith.constant 0 : index
    %get3A_1 = arith.constant 0 : index
    %get3A_2 = vector.load %arg2[%get3A, %get3A_0, %get3A_1] : memref<1x3x8192xf32, #tpu.memory_space<vmem>>, vector<1x3x8192xf32>
    %reshape3A = vector.shape_cast %get3A_2 : vector<1x3x8192xf32> to vector<3x8192xf32>
    %get3A_3 = arith.constant 0 : index
    %get3A_4 = arith.constant 0 : index
    %get3A_5 = vector.load %arg3[%get3A_3, %get3A_4] : memref<64x3xf32, #tpu.memory_space<vmem>>, vector<64x3xf32>
    %slice3A = vector.extract_strided_slice %get3A_5 {offsets = [0, 0], sizes = [64, 1], strides = [1, 1]} : vector<64x3xf32> to vector<64x1xf32>
    %slice3A_6 = vector.extract_strided_slice %reshape3A {offsets = [0, 0], sizes = [1, 8192], strides = [1, 1]} : vector<3x8192xf32> to vector<1x8192xf32>
    %mul3A = vector.broadcast %slice3A : vector<64x1xf32> to vector<64x8192xf32>
    %mul3A_7 = vector.broadcast %slice3A_6 : vector<1x8192xf32> to vector<64x8192xf32>
    %mul3A_8 = arith.mulf %mul3A, %mul3A_7 : vector<64x8192xf32>
    %slice3A_9 = vector.extract_strided_slice %get3A_5 {offsets = [0, 1], sizes = [64, 1], strides = [1, 1]} : vector<64x3xf32> to vector<64x1xf32>
    %slice3A_10 = vector.extract_strided_slice %reshape3A {offsets = [1, 0], sizes = [1, 8192], strides = [1, 1]} : vector<3x8192xf32> to vector<1x8192xf32>
    %mul3A_11 = vector.broadcast %slice3A_9 : vector<64x1xf32> to vector<64x8192xf32>
    %mul3A_12 = vector.broadcast %slice3A_10 : vector<1x8192xf32> to vector<64x8192xf32>
    %mul3A_13 = arith.mulf %mul3A_11, %mul3A_12 : vector<64x8192xf32>
    %add3A = arith.addf %mul3A_8, %mul3A_13 : vector<64x8192xf32>
    %slice3A_14 = vector.extract_strided_slice %get3A_5 {offsets = [0, 2], sizes = [64, 1], strides = [1, 1]} : vector<64x3xf32> to vector<64x1xf32>
    %slice3A_15 = vector.extract_strided_slice %reshape3A {offsets = [2, 0], sizes = [1, 8192], strides = [1, 1]} : vector<3x8192xf32> to vector<1x8192xf32>
    %mul3A_16 = vector.broadcast %slice3A_14 : vector<64x1xf32> to vector<64x8192xf32>
    %mul3A_17 = vector.broadcast %slice3A_15 : vector<1x8192xf32> to vector<64x8192xf32>
    %mul3A_18 = arith.mulf %mul3A_16, %mul3A_17 : vector<64x8192xf32>
    %add3A_19 = arith.addf %add3A, %mul3A_18 : vector<64x8192xf32>
    %get3A_20 = arith.constant 0 : index
    %get3A_21 = arith.constant 0 : index
    %get3A_22 = vector.load %arg6[%get3A_20, %get3A_21] : memref<64x1xf32, #tpu.memory_space<vmem>>, vector<64x1xf32>
    %add3A_23 = vector.broadcast %get3A_22 : vector<64x1xf32> to vector<64x8192xf32>
    %add3A_24 = arith.addf %add3A_19, %add3A_23 : vector<64x8192xf32>
    %max3A = arith.constant 0.000000e+00 : f32
    %max3A_25 = vector.broadcast %max3A : f32 to vector<64x8192xf32>
    %max3A_26 = arith.maximumf %add3A_24, %max3A_25 : vector<64x8192xf32>
    %get3A_27 = arith.constant 0 : index
    %get3A_28 = arith.constant 0 : index
    %get3A_29 = vector.load %arg4[%get3A_27, %get3A_28] : memref<64x64xf32, #tpu.memory_space<vmem>>, vector<64x64xf32>
    %dot_general3A = arith.constant dense<0.000000e+00> : vector<64x8192xf32>
    %dot_general3A_30 = tpu.matmul %get3A_29, %max3A_26, %dot_general3A {dimension_numbers = #tpu.dot_dimension_numbers<[1], [0], [0], [1], [0, 0, 1, 1], [], []>, transpose_lhs_hint = false} : vector<64x64xf32>, vector<64x8192xf32>, vector<64x8192xf32> -> vector<64x8192xf32>
    %get3A_31 = arith.constant 0 : index
    %get3A_32 = arith.constant 0 : index
    %get3A_33 = vector.load %arg7[%get3A_31, %get3A_32] : memref<64x1xf32, #tpu.memory_space<vmem>>, vector<64x1xf32>
    %add3A_34 = vector.broadcast %get3A_33 : vector<64x1xf32> to vector<64x8192xf32>
    %add3A_35 = arith.addf %dot_general3A_30, %add3A_34 : vector<64x8192xf32>
    %max3A_36 = arith.constant 0.000000e+00 : f32
    %max3A_37 = vector.broadcast %max3A_36 : f32 to vector<64x8192xf32>
    %max3A_38 = arith.maximumf %add3A_35, %max3A_37 : vector<64x8192xf32>
    %get3A_39 = arith.constant 0 : index
    %get3A_40 = arith.constant 0 : index
    %get3A_41 = vector.load %arg5[%get3A_39, %get3A_40] : memref<128x64xf32, #tpu.memory_space<vmem>>, vector<128x64xf32>
    %dot_general3A_42 = arith.constant dense<0.000000e+00> : vector<128x8192xf32>
    %dot_general3A_43 = tpu.matmul %get3A_41, %max3A_38, %dot_general3A_42 {dimension_numbers = #tpu.dot_dimension_numbers<[1], [0], [0], [1], [0, 0, 1, 1], [], []>, transpose_lhs_hint = false} : vector<128x64xf32>, vector<64x8192xf32>, vector<128x8192xf32> -> vector<128x8192xf32>
    %reshape3A_44 = vector.shape_cast %dot_general3A_43 : vector<128x8192xf32> to vector<128x256x32xf32>
    %reduce_max3A = arith.constant dense<0xFF800000> : vector<128x256xf32>
    %reduce_max3A_45 = vector.multi_reduction <maximumf>, %reshape3A_44, %reduce_max3A [2] : vector<128x256x32xf32> to vector<128x256xf32>
    %get3A_46 = arith.constant 0 : index
    %get3A_47 = arith.constant 0 : index
    %get3A_48 = vector.load %arg8[%get3A_46, %get3A_47] : memref<128x1xf32, #tpu.memory_space<vmem>>, vector<128x1xf32>
    %add3A_49 = vector.broadcast %get3A_48 : vector<128x1xf32> to vector<128x256xf32>
    %add3A_50 = arith.addf %reduce_max3A_45, %add3A_49 : vector<128x256xf32>
    %max3A_51 = arith.constant 0.000000e+00 : f32
    %max3A_52 = vector.broadcast %max3A_51 : f32 to vector<128x256xf32>
    %max3A_53 = arith.maximumf %add3A_50, %max3A_52 : vector<128x256xf32>
    %reshape3A_54 = vector.shape_cast %max3A_53 : vector<128x256xf32> to vector<1x128x256xf32>
    %swap3A = arith.constant 0 : index
    %swap3A_55 = arith.constant 0 : index
    %swap3A_56 = arith.constant 0 : index
    %swap3A_57 = vector.load %arg9[%swap3A, %swap3A_55, %swap3A_56] : memref<1x128x256xf32, #tpu.memory_space<vmem>>, vector<1x128x256xf32>
    tpu.vector_store %arg9[%swap3A, %swap3A_55, %swap3A_56], %reshape3A_54 {strides = array<i32>} : memref<1x128x256xf32, #tpu.memory_space<vmem>>, vector<1x128x256xf32>,
    return
  }
  func.func @transform_0(%arg0: i32, %arg1: i32) -> (i32, i32, i32) {
    %c0_i32 = arith.constant 0 : i32
    %c0_i32_0 = arith.constant 0 : i32
    return %arg0, %c0_i32, %arg1 : i32, i32, i32
  }
  func.func @transform_1(%arg0: i32, %arg1: i32) -> (i32, i32) {
    %c0_i32 = arith.constant 0 : i32
    %c0_i32_0 = arith.constant 0 : i32
    %c0_i32_1 = arith.constant 0 : i32
    return %c0_i32, %c0_i32_0 : i32, i32
  }
  func.func @transform_2(%arg0: i32, %arg1: i32) -> (i32, i32) {
    %c0_i32 = arith.constant 0 : i32
    %c0_i32_0 = arith.constant 0 : i32
    %c0_i32_1 = arith.constant 0 : i32
    return %c0_i32, %c0_i32_0 : i32, i32
  }
  func.func @transform_3(%arg0: i32, %arg1: i32) -> (i32, i32) {
    %c0_i32 = arith.constant 0 : i32
    %c0_i32_0 = arith.constant 0 : i32
    %c0_i32_1 = arith.constant 0 : i32
    return %c0_i32, %c0_i32_0 : i32, i32
  }
  func.func @transform_4(%arg0: i32, %arg1: i32) -> (i32, i32) {
    %c0_i32 = arith.constant 0 : i32
    %c0_i32_0 = arith.constant 0 : i32
    %c0_i32_1 = arith.constant 0 : i32
    return %c0_i32, %c0_i32_0 : i32, i32
  }
  func.func @transform_5(%arg0: i32, %arg1: i32) -> (i32, i32) {
    %c0_i32 = arith.constant 0 : i32
    %c0_i32_0 = arith.constant 0 : i32
    %c0_i32_1 = arith.constant 0 : i32
    return %c0_i32, %c0_i32_0 : i32, i32
  }
  func.func @transform_6(%arg0: i32, %arg1: i32) -> (i32, i32) {
    %c0_i32 = arith.constant 0 : i32
    %c0_i32_0 = arith.constant 0 : i32
    %c0_i32_1 = arith.constant 0 : i32
    return %c0_i32, %c0_i32_0 : i32, i32
  }
  func.func @transform_7(%arg0: i32, %arg1: i32) -> (i32, i32, i32) {
    %c0_i32 = arith.constant 0 : i32
    %c0_i32_0 = arith.constant 0 : i32
    return %arg0, %c0_i32, %arg1 : i32, i32, i32
  }
}

</mosaic_0001>

<sc_bundles>
// kernel: kernel.6.cloned.1.call-start
scs
__scs_entry_jumppad:
0x0: {  	(pc) =	sbr.rel $0x88, $3  }
0x1: {  	(tag) =	ssettag $0x0;
	lr =	simm.s32 $0x1  }
0x2: {  	[smem:$0x3F9A] =	sst lr;
	_ =	strace $0xD0000000  }
0x3: {  	_ = 	snop  }
0x4: {  	_ = 	snop  }
0x5: {  	_ = 	snop  }
0x6: {  	_ = 	snop  }
0x7: {  	_ = 	snop  }
__scs_overlays_trampoline_lowered:
0x8: {  	[smem:$0x3FA9] =	sst s0  }
0x9: {  	[smem:$0x3FAA] =	sst s1  }
0xa: {  	[smem:$0x3FAB] =	sst s2  }
0xb: {  	[smem:$0x3FAC] =	sst s3  }
0xc: {  	[smem:$0x3FAD] =	sst s4  }
0xd: {  	[smem:$0x3FAE] =	sst s5  }
0xe: {  	[smem:$0x3FAF] =	sst s6  }
0xf: {  	[smem:$0x3FB0] =	sst s7  }
0x10: {  	[smem:$0x3FB1] =	sst s8  }
0x11: {  	[smem:$0x3FB2] =	sst s9;
	s0 =	simm.s32 @!p0 $0x0  }
0x12: {  	s1 =	sld [smem:$0x3F98];
	s0 =	simm.s32 @p0 $0x1  }
0x13: {  	[smem:$0x3FB3] =	sst s0;
	s0 =	simm.s32 @!p1 $0x0  }
0x14: {  	s2 =	sld [smem:$0x3F97];
	s0 =	simm.s32 @p1 $0x1  }
0x15: {  	[smem:$0x3FB4] =	sst s0;
	s0 =	simm.s32 @!p2 $0x0  }
0x16: {  	s3 =	sld [smem:$0x3FDB];
	s0 =	simm.s32 @p2 $0x1  }
0x17: {  	s4 =	simm.s32 $0x1BF5;
	[smem:$0x3FB6] =	sst s0  }
0x18: {  	s0 =	sld [smem:$0x3F99];
	_ =	swait.ge [sflag:s4], $0x0  }
0x19: {  	s7 =	sld [smem:$0x3F9A]  }
0x1a: {  	s8 =	sadd.s32 $0xFFFFE003, lr  }
0x1b: {  	s9 =	sadd.s32 $0xFFFFFEF7, lr;
	s5 =	simm.s32 $0xFFFFFFFF;
	p2 =	slt.u32 s8, $0xFFFFF086  }
0x1c: {  	p1 =	slt.u32 s9, $0xF7A;
	s5 =	simm.s32 @!p2 $0x0  }
0x1d: {  	s5 =	simm.s32 @p1 $0x1;
	p0 =	seq.s32 s7, s2  }
0x1e: {  	s7 =	smul.u32 @!p0 $0xF7A, s2;
	p2 =	seq.s32 @!p0 s5, $0x0  }
0x1f: {  	s9 =	smul.u32 $0xF7A, s1;
	s8 =	simm.s32 @!p0 $0x1BF5;
	p2 =	por !p2, p0  }
0x20: {  	[sflag:s8] =	ssyncset.s32 @!p0 $0xFFFFF086;
	s6 =	sadd.s32 @!p0 s3, s7;
	s7 =	simm.s32 @!p0 $0x108  }
0x21: {  	s3 =	sadd.s32 s3, s9;
	s6 =	sadd.s32 @!p0 $0x88, s6;
	s7 =	simm.s32 @p2 $0x1082  }
0x22: {  	[simem:s7], [sflag:s8] =	dma.local @!p0 [hbm:s6], $0xF7A  }
0x23: {  	s9 =	sor.u32 $0xD0000000, s2;
	s6 =	simm.s32 $0x108;
	_ =	swait.ge @!p0 [sflag:s8], $0x0  }
0x24: {  	s3 =	sadd.s32 $0x88, s3;
	s6 =	simm.s32 @!p1 $0x1082;
	[sflag:s4] =	ssyncset.s32 $0xFFFFF086  }
0x25: {  	[simem:s6], [sflag:s4] =	dma.local [hbm:s3], $0xF7A  }
0x26: {  	[smem:$0x3F9A] =	sst s1;
	(tag) =	ssettag s2;
	_ =	strace s9  }
0x27: {  	s1 =	sld [smem:$0x3FAA]  }
0x28: {  	s2 =	sld [smem:$0x3FAB]  }
0x29: {  	s4 =	sld [smem:$0x3FAD]  }
0x2a: {  	p0 =	seq.s32 s5, $0x0;
	s5 =	sld [smem:$0x3FAE]  }
0x2b: {  	s6 =	sld [smem:$0x3FAF]  }
0x2c: {  	s7 =	sld [smem:$0x3FB0]  }
0x2d: {  	s3 =	simm.s32 $0x108;
	s8 =	sld [smem:$0x3FB1]  }
0x2e: {  	s3 =	simm.s32 @!p0 $0x1082;
	s9 =	sld [smem:$0x3FB2]  }
0x2f: {  	lr =	sadd.s32 s0, s3;
	s0 =	sld [smem:$0x3FA9]  }
0x30: {  	s3 =	sld [smem:$0x3FAC]  }
0x31: {  	[smem:$0x3FB5] =	sst s10  }
0x32: {  	s10 =	sld [smem:$0x3FB3];
	_ =	sdelay $0x3  }
0x33: {  	p0 =	seq.s32 s10, $0x1;
	s10 =	sld [smem:$0x3FB5];
	_ =	sdelay $0x3  }
0x34: {  	[smem:$0x3FB5] =	sst s10  }
0x35: {  	s10 =	sld [smem:$0x3FB4];
	_ =	sdelay $0x3  }
0x36: {  	p1 =	seq.s32 s10, $0x1;
	s10 =	sld [smem:$0x3FB5];
	_ =	sdelay $0x3  }
0x37: {  	[smem:$0x3FB5] =	sst s10  }
0x38: {  	s10 =	sld [smem:$0x3FB6]  }
0x39: {  	_ = 	snop;
	(pc) =	sbr.ind lr, $3  }
0x3a: {  	_ = 	snop  }
0x3b: {  	_ = 	snop  }
0x3c: {  	p2 =	seq.s32 s10, $0x1;
	s10 =	sld [smem:$0x3FB5]  }
0x3d: {  	_ =	shalt  }
0x3e: {  	_ =	shalt  }
0x3f: {  	_ =	shalt  }
0x40: {  	_ =	shalt  }
0x41: {  	_ =	shalt  }
0x42: {  	_ =	shalt  }
0x43: {  	_ =	shalt  }
0x44: {  	_ =	shalt  }
0x45: {  	_ =	shalt  }
0x46: {  	_ =	shalt  }
0x47: {  	_ =	shalt  }
0x48: {  	_ =	shalt  }
0x49: {  	_ =	shalt  }
0x4a: {  	_ =	shalt  }
0x4b: {  	_ =	shalt  }
0x4c: {  	_ =	shalt  }
0x4d: {  	_ =	shalt  }
0x4e: {  	_ =	shalt  }
0x4f: {  	_ =	shalt  }
0x50: {  	_ =	shalt  }
0x51: {  	_ =	shalt  }
0x52: {  	_ =	shalt  }
0x53: {  	_ =	shalt  }
0x54: {  	_ =	shalt  }
0x55: {  	_ =	shalt  }
0x56: {  	_ =	shalt  }
0x57: {  	_ =	shalt  }
0x58: {  	_ =	shalt  }
0x59: {  	_ =	shalt  }
0x5a: {  	_ =	shalt  }
0x5b: {  	_ =	shalt  }
0x5c: {  	_ =	shalt  }
0x5d: {  	_ =	shalt  }
0x5e: {  	_ =	shalt  }
0x5f: {  	_ =	shalt  }
0x60: {  	_ =	shalt  }
0x61: {  	_ =	shalt  }
0x62: {  	_ =	shalt  }
0x63: {  	_ =	shalt  }
0x64: {  	_ =	shalt  }
0x65: {  	_ =	shalt  }
0x66: {  	_ =	shalt  }
0x67: {  	_ =	shalt  }
0x68: {  	_ =	shalt  }
0x69: {  	_ =	shalt  }
0x6a: {  	_ =	shalt  }
0x6b: {  	_ =	shalt  }
0x6c: {  	_ =	shalt  }
0x6d: {  	_ =	shalt  }
0x6e: {  	_ =	shalt  }
0x6f: {  	_ =	shalt  }
0x70: {  	_ =	shalt  }
0x71: {  	_ =	shalt  }
0x72: {  	_ =	shalt  }
0x73: {  	_ =	shalt  }
0x74: {  	_ =	shalt  }
0x75: {  	_ =	shalt  }
0x76: {  	_ =	shalt  }
0x77: {  	_ =	shalt  }
0x78: {  	_ =	shalt  }
0x79: {  	_ =	shalt  }
0x7a: {  	_ =	shalt  }
0x7b: {  	_ =	shalt  }
0x7c: {  	_ =	shalt  }
0x7d: {  	_ =	shalt  }
0x7e: {  	_ =	shalt  }
0x7f: {  	_ =	shalt  }
0x80: {  	_ =	shalt  }
0x81: {  	_ =	shalt  }
0x82: {  	_ =	shalt  }
0x83: {  	_ =	shalt  }
0x84: {  	_ =	shalt  }
0x85: {  	_ =	shalt  }
0x86: {  	_ =	shalt  }
0x87: {  	_ =	shalt  }
.Lfunc_end0:
.L_simem_size_0:
called_computation.1_lowered:
.L_overlay_start_0:
0x88: {  	s2 =	sld [smem:$0x3FD9]  }
0x89: {  	s3 =	sld [smem:$0x3FFE];
	_ =	sdelay $0x1  }
0x8a: {  	s1 =	srdreg.scid  }
0x8b: {  	s0 =	sand.u32 $0x1, s1  }
0x8c: {  	s14 =	sshll.u32 s0, $0xA;
	s2 =	sadd.s32 s3, s2  }
0x8d: {  	s2 =	sadd.s32 s2, s14  }
0x8e: {  	[smem:$0x3FC1] =	sst s2  }
0x8f: {  	_ = 	snop  }
0x90: {  	s2 =	sld [smem:$0x3FD0];
	_ =	sdelay $0x2  }
0x91: {  	s15 =	simm.s32 $0xA;
	s4 =	simm.s32 $0x10  }
0x92: {  	[smem:s4], [sflag:s15] =	dma.local [hbm:s2], $0x1  }
0x93: {  	_ =	swait.eq [sflag:s15], $0x1  }
0x94: {  	[sflag:s15] =	ssyncset.done $0x0  }
0x95: {  	[sflag:s15] =	ssyncadd.s32 $0xFFFFFFFF  }
0x96: {  	s16 =	sld [smem:$0x11];
	(tm) =	ssettm $0x1  }
0x97: {  	s17 =	sld [smem:$0x3FFB];
	_ =	sdelay $0x3  }
0x98: {  	_ =	strace s17  }
0x99: {  	s3 =	sld [smem:$0x3FFC];
	_ =	sdelay $0x3  }
0x9a: {  	_ =	strace s3  }
0x9b: {  	s3 =	sld [smem:$0x3FFD];
	_ =	sdelay $0x3  }
0x9c: {  	_ =	strace s3  }
0x9d: {  	_ =	strace $0x8FFFFFFF  }
0x9e: {  	s18 =	sld [smem:$0x3FDB];
	_ =	sdelay $0x1  }
0x9f: {  	s19 =	simm.s32 $_scs_section_size  }
0xa0: {  	s5 =	simm.s32 $_size__tile_overlayer_lowered;
	s6 =	simm.s32 $_tile_overlayer_lowered  }
0xa1: {  	s22 =	simm.s32 $0x1BFF;
	s21 =	sshll.u32 s6, $0x1;
	s3 =	sadd.s32 s19, s18  }
0xa2: {  	s7 =	simm.s32 $0x0;
	s20 =	sshll.u32 s5, $0x1;
	s5 =	sadd.s32 s21, s3  }
0xa3: {  	[timem:s7], [sflag:s22] =	dma.local [hbm:s5], s20  }
0xa4: {  	_ =	swait.ge [sflag:s22], s20  }
0xa5: {  	s4 =	ssub.s32 $0x0, s20;
	[sflag:s22] =	ssyncset.done $0x0  }
0xa6: {  	[sflag:s22] =	ssyncadd.s32 s4;
	_ =	sdelay $0x1  }
0xa7: {  	s23 =	simm.s32 $0x1B8B  }
0xa8: {  	_ =	swait.ge [sflag:s23], $0x1  }
0xa9: {  	[sflag:s23] =	ssyncset.done $0x0  }
0xaa: {  	s25 =	simm.s32 $0x1B8E;
	s24 =	sld [smem:$0x3FFE];
	[sflag:s23] =	ssyncadd.s32 $0xFFFFFFFF  }
0xab: {  	s26 =	simm.s32 $execute0_lowered;
	[smem:$0x3FD2] =	sst s25  }
0xac: {  	s5 =	sshll.u32 s26, $0x1;
	_ =	strace $0x80000049;
	[dreg:$0x1] =	wrdreg $0xFFFFFFFF  }
0xad: {  	s28 =	simm.s32 $_size_execute0_lowered;
	s3 =	sadd.s32 s3, s5;
	[dreg:$0x0] =	wrdreg $0x0  }
0xae: {  	s5 =	sshll.u32 s28, $0x1;
	[dreg:$0x2] =	wrdreg s3  }
0xaf: {  	[dreg:$0x3] =	wrdreg s5  }
0xb0: {  	[dreg:$0x4] =	wrdreg $0xC0  }
0xb1: {  	_ =	task [dreg:s7], $0x5FFFF  }
0xb2: {  	[dreg:$0x1] =	wrdreg $0xFFFFFFFF  }
0xb3: {  	[dreg:$0x0] =	wrdreg $0x60  }
0xb4: {  	[dreg:$0x2] =	wrdreg s24  }
0xb5: {  	[dreg:$0x3] =	wrdreg s16  }
0xb6: {  	[dreg:$0x4] =	wrdreg $0x9  }
0xb7: {  	_ =	task.clear_ibuf [dreg:s7], $0x5FFFF;
	_ =	strace $0x90000049  }
0xb8: {  	s29 =	simm.s32 $0x9;
	_ =	strace $0x8000004B  }
0xb9: {  	_ =	swait.ge [sflag:s29], $0x1  }
0xba: {  	[sflag:s29] =	ssyncadd.s32 $0xFFFFFFFF  }
0xbb: {  	_ =	strace $0x9000004B  }
0xbc: {  	_ =	sfence  }
0xbd: {  	s30 =	sld [smem:$0x0];
	_ =	sdelay $0x2  }
0xbe: {  	s31 =	sshll.u32 s1, $0xD;
	s1 =	sshrl.u32 s1, $0x2  }
0xbf: {  	s3 =	sand.u32 $0x4000, s31;
	s1 =	sadd.s32 s1, s30  }
0xc0: {  	s0 =	sor.u32 s3, s0;
	s1 =	sshll.u32 s1, $0x11  }
0xc1: {  	s0 =	sor.u32 s1, s0  }
0xc2: {  	s0 =	sadd.s32 $0x8F2B, s0  }
0xc3: {  	[sflag:s0] =	ssyncadd.remote.s32 $0x1  }
0xc4: {  	_ =	sfence.sel $0xFFFF  }
0xc5: {  	[dreg:$0x0] =	wrdreg $0xFFFFFFFF;
	(pc) =	sbr.abs _section_cstart, $3  }
0xc6: {  	[dreg:$0x1] =	wrdreg $0xFFFFFFFF  }
0xc7: {  	_ =	task.clear_ibuf [dreg:s7], $0x2FFFF;
	_ =	strace $0x9FFFFFFF  }
0xc8: {  	(tm) =	ssettm $0x7FFFFFFF  }
0xc9: {  	_ =	shalt  }
tec
execute0_lowered:
.L_overlay_start_1:
0x0: {  	(tag) =	ssettag $0x1  }
0x1: {  	s0 =	rddreg [dreg:$0x0]  }
0x2: {  	s2 =	rddreg [dreg:$0x1];
	s1 =	simm.s32 $0x0  }
0x3: {  	s4 =	srdreg.scid;
	s8 =	stileid.u32;
	s17 =	simm.s32 $0x2000  }
0x4: {  	s18 =	simm.s32 $0x3000;
	s19 =	simm.s32 $0x4000;
	[smem:$0x7FF] =	sst s1  }
0x5: {  	s3 =	sadd.s32 $0x201C00, s0;
	s5 =	sshll.u32 s8, $0x1;
	s8 =	sshrl.u32 s8, $0x2  }
0x6: {  	s6 =	sadd.s32 $0x401C00, s0;
	s0 =	sadd.s32 $0x403400, s0;
	s20 =	smul.u32 $0x3, s8  }
0x7: {  	s4 =	sand.u32 $0x1, s4;
	_ =	strace $0x8000004A;
	s21 =	smul.u32 $0x600, s8  }
0x8: {  	s7 =	ssub.s32 $0x2, s4;
	s5 =	sand.u32 $0x6, s5;
	s11 =	smul.u32 $0xC00, s8  }
0x9: {  	s16 =	sshll.u32 s8, $0xA;
	s9 =	sshrl.u32 s7, $0x1;
	s4 =	sor.u32 s4, s5  }
0xa: {  	s14 =	ssub.s32 s7, s9;
	s10 =	sshll.u32 s4, $0x7;
	s22 =	sadd.s32 $0x1, s20  }
0xb: {  	s23 =	sadd.s32 $0x2, s20;
	s4 =	sadd.s32 s6, s21;
	s20 =	simm.s32 $0x4080  }
0xc: {  	s21 =	simm.s32 $0x4100;
	s24 =	sshll.u32 s22, $0x9;
	s12 =	sshll.u32 s23, $0x9  }
0xd: {  	s11 =	sor.u32 s11, s10;
	s13 =	sshll.u32 s22, $0xA;
	s9 =	sshll.u32 s23, $0xA  }
0xe: {  	s14 =	smax.u32 s14, $0x1;
	s22 =	simm.s32 $0x4180;
	s5 =	sadd.s32 s6, s24  }
0xf: {  	s6 =	sadd.s32 s6, s12;
	s25 =	sshrl.u32 s11, $0x3;
	s26 =	sor.u32 s10, s13  }
0x10: {  	s28 =	sor.u32 s10, s9;
	s10 =	sor.u32 s16, s10;
	s30 =	sshll.u32 s11, $0x2  }
0x11: {  	s16 =	simm.s32 $0x1;
	s24 =	simm.s32 $0x5200;
	s7 =	sadd.s32 s0, s25  }
.Ltmp0:
0x12: {  	s29 =	sshrl.u32 s26, $0x3;
	s15 =	sshrl.u32 s28, $0x3;
	(pc) =	sbr.rel .LBB2_1-.Ltmp0, $4  }
0x13: {  	s12 =	sshll.u32 s26, $0x2;
	s13 =	sshll.u32 s28, $0x2;
	s11 =	sadd.s32 s2, s30  }
0x14: {  	s25 =	simm.s32 $0x6200;
	s26 =	simm.s32 $0x0;
	s8 =	sadd.s32 s0, s29  }
0x15: {  	v0 =	vlaneseq.u32;
	s9 =	sadd.s32 s0, s15;
	s31 =	sand.u32 $0x1FFFFE00, s12;
	s13 =	sand.u32 $0x1FFFFE00, s13  }
0x16: {  	v1 =	vimm.s32 $0x0;
	v2 =	vor.u32 $0x10, v0;
	s15 =	simm.s32 $0x1000;
	s12 =	sadd.s32 s2, s31;
	s13 =	sadd.s32 s2, s13  }
.LBB2_9:
0x17: {  	s0 =	simm.s32 $0x4200  }
0x18: {  	[hbm4b:s11+s1] =	stream.linear.scatter [tilespmem:s0], [sflag:$0x1], $0x1000, $0x38;
	[tilespmem:$0x7280] =	vst v63  }
0x19: {  	_ =	swait.ge [sflag:s16], $0x1000  }
0x1a: {  	[sflag:s16] =	ssyncset.done $0x0  }
0x1b: {  	[sflag:s16] =	ssyncadd.s32 $0xFFFFF000  }
0x1c: {  	[hbm4b:s12+s1] =	stream.linear.scatter [tilespmem:s24], [sflag:$0x1], $0x1000, $0x38;
	[tilespmem:$0x7280] =	vst v63  }
0x1d: {  	s26 =	sadd.s32 $0x1, s26;
	_ =	swait.ge [sflag:s16], $0x1000  }
0x1e: {  	p0 =	sne.s32 s26, s14;
	[sflag:s16] =	ssyncset.done $0x0  }
.Ltmp1:
0x1f: {  	[sflag:s16] =	ssyncadd.s32 $0xFFFFF000;
	(pc) =	sbr.rel @!p0 .LBB2_10-.Ltmp1, $4  }
0x20: {  	[hbm4b:s13+s1] =	stream.linear.scatter [tilespmem:s25], [sflag:$0x1], $0x1000, $0x38;
	[tilespmem:$0x7280] =	vst v63  }
0x21: {  	_ =	swait.ge [sflag:s16], $0x1000  }
0x22: {  	[sflag:s16] =	ssyncset.done $0x0  }
0x23: {  	[sflag:s16] =	ssyncadd.s32 $0xFFFFF000  }
.LBB2_1:
0x24: {  	[tilespmem:s15], [sflag:$0x1] =	stream.linear.gather [hbm4b:s4+s1], $0x1000, $0x38;
	[tilespmem:$0x7280] =	vst v63  }
0x25: {  	_ =	swait.ge [sflag:s16], $0x1000  }
0x26: {  	[sflag:s16] =	ssyncset.done $0x0  }
0x27: {  	[sflag:s16] =	ssyncadd.s32 $0xFFFFF000  }
0x28: {  	[tilespmem:s17], [sflag:$0x1] =	stream.linear.gather [hbm4b:s5+s1], $0x1000, $0x38;
	[tilespmem:$0x7280] =	vst v63  }
0x29: {  	_ =	swait.ge [sflag:s16], $0x1000  }
0x2a: {  	[sflag:s16] =	ssyncset.done $0x0  }
0x2b: {  	[sflag:s16] =	ssyncadd.s32 $0xFFFFF000  }
0x2c: {  	[tilespmem:s18], [sflag:$0x1] =	stream.linear.gather [hbm4b:s6+s1], $0x1000, $0x38;
	[tilespmem:$0x7280] =	vst v63  }
0x2d: {  	_ =	swait.ge [sflag:s16], $0x1000  }
0x2e: {  	[sflag:s16] =	ssyncset.done $0x0  }
0x2f: {  	[sflag:s16] =	ssyncadd.s32 $0xFFFFF000  }
0x30: {  	[tilespmem:s19], [sflag:$0x1] =	stream.linear.gather [hbm4b:s7+s1], $0x80, $0x38;
	[tilespmem:$0x7280] =	vst v63  }
0x31: {  	_ =	swait.ge [sflag:s16], $0x80  }
0x32: {  	[sflag:s16] =	ssyncset.done $0x0  }
0x33: {  	[sflag:s16] =	ssyncadd.s32 $0xFFFFFF80  }
0x34: {  	[tilespmem:s20], [sflag:$0x1] =	stream.linear.gather [hbm4b:s8+s1], $0x80, $0x38;
	[tilespmem:$0x7280] =	vst v63  }
0x35: {  	_ =	swait.ge [sflag:s16], $0x80  }
0x36: {  	[sflag:s16] =	ssyncset.done $0x0  }
.Ltmp2:
0x37: {  	[sflag:s16] =	ssyncadd.s32 $0xFFFFFF80;
	(pc) =	sbr.rel .LBB2_2-.Ltmp2, $4  }
0x38: {  	[tilespmem:s21], [sflag:$0x1] =	stream.linear.gather [hbm4b:s9+s1], $0x80, $0x38;
	[tilespmem:$0x7280] =	vst v63  }
0x39: {  	_ =	swait.ge [sflag:s16], $0x80  }
0x3a: {  	[sflag:s16] =	ssyncset.done $0x0  }
0x3b: {  	s28 =	simm.s32 $0x0;
	[sflag:s16] =	ssyncadd.s32 $0xFFFFFF80  }
.LBB2_8:
0x3c: {  	v4 =	vld.msk [tilespmem:s22+$0x0], $0xffff  }
0x3d: {  	v5 =	vld [tilespmem:$0x4180];
	_ =	sdelay $0x3  }
0x3e: {  	v6 =	vmov s28;
	vm0 =	vgt.s32 v3, v0  }
0x3f: {  	v5 =	vsel vm0, v5, v4;
	_ =	sdelay $0x3  }
0x40: {  	v7 =	vld.idx.msk [tilespmem:v6+s19+$0x0], $0xffff  }
0x41: {  	v8 =	vld.idx.msk [tilespmem:v5+s15+$0x0], $0xffff;
	_ =	sdelay $0x4  }
0x42: {  	v8 =	vsub.f32 v8, v7  }
0x43: {  	s0 =	sshll.u32 s28, $0x5;
	v9 =	vld.idx.msk [tilespmem:v6+s20+$0x0], $0xffff  }
0x44: {  	v6 =	vld.idx.msk [tilespmem:v6+s21+$0x0], $0xffff;
	[tilespmem:s0+$0x4200] =	vst v8  }
0x45: {  	v8 =	vld.idx.msk [tilespmem:v5+s17+$0x0], $0xffff;
	_ =	sdelay $0x4  }
0x46: {  	v8 =	vsub.f32 v8, v9  }
0x47: {  	s2 =	sand.u32 $0xFE0, s0  }
0x48: {  	[tilespmem:s2+$0x5200] =	vst v8  }
0x49: {  	v5 =	vld.idx.msk [tilespmem:v5+s18+$0x0], $0xffff;
	_ =	sdelay $0x4  }
0x4a: {  	v5 =	vsub.f32 v5, v6;
	_ =	sdelay $0x1  }
0x4b: {  	[tilespmem:s2+$0x6200] =	vst v5  }
0x4c: {  	v5 =	vld [tilespmem:$0x4190];
	_ =	sdelay $0x3  }
0x4d: {  	vm15 =	vgt.s32 v3, v2  }
0x4e: {  	v3 =	vsel vm15, v5, v4;
	_ =	sdelay $0x4  }
0x4f: {  	v4 =	vld.idx.msk [tilespmem:v3+s15+$0x0], $0xffff;
	_ =	sdelay $0x4  }
0x50: {  	v4 =	vsub.f32 v4, v7;
	_ =	sdelay $0x1  }
0x51: {  	[tilespmem:s0+$0x4210] =	vst v4  }
0x52: {  	v4 =	vld.idx.msk [tilespmem:v3+s17+$0x0], $0xffff;
	_ =	sdelay $0x4  }
0x53: {  	v4 =	vsub.f32 v4, v9;
	_ =	sdelay $0x1  }
0x54: {  	[tilespmem:s0+$0x5210] =	vst v4  }
0x55: {  	v3 =	vld.idx.msk [tilespmem:v3+s18+$0x0], $0xffff  }
0x56: {  	s28 =	sadd.s32 $0x1, s28  }
0x57: {  	p0 =	sne.s32 s28, $0x80  }
.Ltmp3:
0x58: {  	_ = 	snop;
	(pc) =	sbr.rel @!p0 .LBB2_9-.Ltmp3, $3  }
0x59: {  	_ = 	snop  }
0x5a: {  	v3 =	vsub.f32 v3, v6;
	_ =	sdelay $0x1  }
0x5b: {  	[tilespmem:s0+$0x6210] =	vst v3  }
.LBB2_2:
0x5c: {  	s0 =	sadd.s32 s10, s28  }
0x5d: {  	s0 =	sshll.u32 s0, $0x9  }
0x5e: {  	s0 =	sand.u32 $0x1FFFFE00, s0  }
.Ltmp4:
0x5f: {  	s2 =	sadd.s32 s3, s0;
	s0 =	simm.s32 $0x0;
	(pc) =	sbr.rel .LBB2_3-.Ltmp4, $4  }
0x60: {  	[tilespmem:s0], [sflag:$0x1] =	stream.linear.gather [hbm4b:s2+s0], $0x1000, $0x38;
	[tilespmem:$0x7280] =	vst v63  }
0x61: {  	_ =	swait.ge [sflag:s16], $0x1000  }
0x62: {  	[sflag:s16] =	ssyncset.done $0x0  }
0x63: {  	v3 =	vimm.s32 $0x0;
	s30 =	simm.s32 $0x0;
	s31 =	simm.s32 $0x0;
	[sflag:s16] =	ssyncadd.s32 $0xFFFFF000  }
.LBB2_6:
0x64: {  	_ =	sdelay $0x3  }
0x65: {  	s2 =	sadd.s32 s23, s30;
	[tilespmem:v5+s22+$0x0] =	vst.idx.msk $0xffff, v6  }
0x66: {  	v5 =	vld [tilespmem:s2+$0x0];
	_ =	sdelay $0x4  }
0x67: {  	vm1 =	vlt.s32 v3, $0x20;
	vm0 =	vgt.s32 v5, $0x0  }
0x68: {  	vm0 =	vmand vm1, vm0  }
0x69: {  	v61 =	vsel vm0, $0x1, v1  }
0x6a: {  	(xrf0) =	vadd.scan.msk.s32 $0xffff, v61;
	_ =	sdelay $0x5  }
0x6b: {  	v5, _, _ =	vpop (xrf0)  }
0x6c: {  	v4 =	vadd.s32 v5, v4  }
0x6d: {  	v4 =	vadd.s32 $0xFFFFFFFF, v4  }
0x6e: {  	v4 =	vnsel vm0, $0x2F, v4;
	_ =	sdelay $0x2  }
0x6f: {  	s29 =	sadd.s32 $0x10, s29;
	v62 =	vmpcnt.ones.xlane vm0  }
0x70: {  	v63 =	vor.u32 s29, v0  }
0x71: {  	v3 =	vadd.s32 v3, v62;
	[tilespmem:v4+s22+$0x0] =	vst.idx.msk $0xffff, v63  }
0x72: {  	[tilespmem:$0x7200] =	vst v3  }
.LBB2_7:
0x73: {  	s31 =	sadd.s32 $0x1, s31  }
0x74: {  	p0 =	sne.s32 s31, $0x10  }
.Ltmp5:
0x75: {  	_ = 	snop;
	(pc) =	sbr.rel @!p0 .LBB2_8-.Ltmp5, $2  }
0x76: {  	_ =	sdelay $0x2  }
0x77: {  	v3 =	vld [tilespmem:$0x7200];
	s30 =	sadd.s32 $0x100, s30;
	s0 =	sadd.s32 $0x100, s0  }
.LBB2_3:
0x78: {  	_ =	sdelay $0x3  }
0x79: {  	v4 =	vxor.u32 $0x80000000, v3  }
0x7a: {  	(xrf0) =	vmax.scan.msk.u32 $0xffff, v4;
	_ =	sdelay $0x5  }
0x7b: {  	v4, _, _ =	vpop (xrf0)  }
0x7c: {  	(v2sf) =	vpush v4, $0xF;
	_ =	sdelay $0xe  }
0x7d: {  	s2 =	spop (v2sf)  }
0x7e: {  	p0 =	sgt.u32 s2, $0x8000001F  }
.Ltmp6:
0x7f: {  	_ = 	snop;
	(pc) =	sbr.rel @p0 .LBB2_7-.Ltmp6, $1  }
0x80: {  	_ =	sdelay $0x3  }
0x81: {  	s2 =	sadd.s32 $0x0, s30  }
0x82: {  	v4 =	vld [tilespmem:s2+$0x0];
	_ =	sdelay $0x4  }
0x83: {  	vm1 =	vlt.s32 v3, $0x20;
	vm0 =	vgt.s32 v4, $0x0  }
0x84: {  	vm0 =	vmand vm1, vm0  }
0x85: {  	v4 =	vsel vm0, $0x1, v1  }
0x86: {  	(xrf0) =	vadd.scan.msk.s32 $0xffff, v4;
	_ =	sdelay $0x5  }
0x87: {  	v4 =	vmpcnt.ones.xlane vm0;
	v5, _, _ =	vpop (xrf0)  }
0x88: {  	v5 =	vadd.s32 v5, v3  }
0x89: {  	v3 =	vadd.s32 v3, v4;
	v4 =	vadd.s32 $0xFFFFFFFF, v5  }
0x8a: {  	v5 =	vnsel vm0, $0x2F, v4;
	_ =	sdelay $0x3  }
0x8b: {  	s23 =	simm.s32 $0x10;
	v6 =	vor.u32 s0, v0;
	s29 =	smov.u32 s0;
	s2 =	simm.s32 $0x80;
	v4 =	vmov v3  }
.LBB2_5:
0x8c: {  	p0 =	sne.s32 s2, $0x3C0;
	s23 =	sadd.s32 s23, s30;
	[tilespmem:v5+s22+$0x0] =	vst.idx.msk $0xffff, v6  }
0x8d: {  	v5 =	vld [tilespmem:s23+$0x0];
	_ =	sdelay $0x4  }
0x8e: {  	vm1 =	vlt.s32 v3, $0x20;
	vm0 =	vgt.s32 v5, $0x0  }
0x8f: {  	vm0 =	vmand vm1, vm0  }
0x90: {  	v5 =	vsel vm0, $0x1, v1;
	v6 =	vmpcnt.ones.xlane vm0  }
0x91: {  	(xrf0) =	vadd.scan.msk.s32 $0xffff, v5  }
0x92: {  	v3 =	vadd.s32 v3, v6;
	_ =	sdelay $0x4  }
0x93: {  	v5, _, _ =	vpop (xrf0)  }
0x94: {  	v5 =	vadd.s32 v5, v4;
	v4 =	vmov v3  }
0x95: {  	v5 =	vadd.s32 $0xFFFFFFFF, v5  }
.Ltmp7:
0x96: {  	v5 =	vnsel vm0, $0x2F, v5;
	(pc) =	sbr.rel @p0 .LBB2_5-.Ltmp7, $3  }
0x97: {  	_ =	sdelay $0x1  }
0x98: {  	s29 =	sadd.s32 $0x10, s29  }
0x99: {  	s23 =	sshra.s32 s2, $0x2;
	s2 =	sadd.s32 $0x40, s2;
	v6 =	vor.u32 s29, v0  }
.Ltmp8:
0x9a: {  	_ = 	snop;
	(pc) =	sbr.rel .LBB2_6-.Ltmp8, $1  }
0x9b: {  	_ =	sdelay $0x3  }
.LBB2_10:
0x9c: {  	_ =	sfence.sel $0x180000  }
0x9d: {  	[bflag:$0x0] =	sbarrier.arrive $0xFFFF  }
0x9e: {  	_ =	strace $0x9000004A  }
0x9f: {  	s0 =	stileid.u32;
	[bflag:$0x2] =	sbarrier.arrive $0xFFFF  }
0xa0: {  	p0 =	sne.s32 s0, $0x0;
	s0 =	rddreg [dreg:$0x2]  }
0xa1: {  	s0 =	sadd.s32 @!p0 $0x100000, s0  }
0xa2: {  	[sflag:s0] =	ssyncadd.tile.s32 @!p0 $0x1;
	_ =	shalt  }
.Lfunc_end2:
_tile_overlayer_lowered:
.L_overlay_start_2:
0xa3: {  	(tag) =	ssettag $0x2  }
0xa4: {  	s0 =	rddreg [dreg:$0x0];
	s2 =	stileid.u32  }
0xa5: {  	s1 =	rddreg [dreg:$0x1];
	p0 =	sne.s32 s2, $0x0  }
0xa6: {  	s3 =	rddreg [dreg:$0x2];
	[bflag:$0x3] =	sbarrier.arrive $0xFFFF;
	s2 =	simm.s32 @!p0 $0x1C01  }
0xa7: {  	[timem:s3], [sflag:s2] =	dma.local @!p0 [hbm:s0], s1  }
0xa8: {  	s0 =	simm.s32 @!p0 $0x1  }
0xa9: {  	_ =	swait.ge @!p0 [sflag:s0], s1  }
0xaa: {  	s1 =	ssub.s32 @!p0 $0x0, s1;
	[sflag:s0] =	ssyncset.done @!p0 $0x0  }
0xab: {  	[sflag:s0] =	ssyncadd.s32 @!p0 s1  }
0xac: {  	[bflag:$0x3] =	sbarrier.arrive $0xFFFF  }
0xad: {  	_ =	shalt  }

// kernel: sparse-core-data-format-call.cloned.1.call-start
scs
called_computation_lowered:
.L_overlay_start_0:
0x0: {  	s1 =	sld [smem:$0x3FD9]  }
0x1: {  	s2 =	sld [smem:$0x3FFE];
	_ =	sdelay $0x1  }
0x2: {  	s3 =	srdreg.scid  }
0x3: {  	s0 =	sand.u32 $0x1, s3  }
0x4: {  	s17 =	sshll.u32 s0, $0xA;
	s1 =	sadd.s32 s2, s1  }
0x5: {  	s1 =	sadd.s32 s1, s17  }
0x6: {  	[smem:$0x3FC1] =	sst s1  }
0x7: {  	_ = 	snop  }
0x8: {  	(tm) =	ssettm $0x1  }
0x9: {  	s18 =	sld [smem:$0x3FFB];
	_ =	sdelay $0x3  }
0xa: {  	_ =	strace s18  }
0xb: {  	s1 =	sld [smem:$0x3FFC];
	_ =	sdelay $0x3  }
0xc: {  	_ =	strace s1  }
0xd: {  	s1 =	sld [smem:$0x3FFD];
	_ =	sdelay $0x3  }
0xe: {  	_ =	strace s1  }
0xf: {  	_ =	strace $0x8FFFFFFF  }
0x10: {  	s19 =	sld [smem:$0x3FDB];
	_ =	sdelay $0x1  }
0x11: {  	s20 =	simm.s32 $_scs_section_size  }
0x12: {  	s4 =	simm.s32 $_size__tile_overlayer_lowered;
	s5 =	simm.s32 $_tile_overlayer_lowered  }
0x13: {  	s23 =	simm.s32 $0x1BFF;
	s22 =	sshll.u32 s5, $0x1;
	s1 =	sadd.s32 s20, s19  }
0x14: {  	s6 =	simm.s32 $0x0;
	s21 =	sshll.u32 s4, $0x1;
	s4 =	sadd.s32 s22, s1  }
0x15: {  	[timem:s6], [sflag:s23] =	dma.local [hbm:s4], s21  }
0x16: {  	_ =	swait.ge [sflag:s23], s21  }
0x17: {  	s2 =	ssub.s32 $0x0, s21;
	[sflag:s23] =	ssyncset.done $0x0  }
0x18: {  	[sflag:s23] =	ssyncadd.s32 s2;
	_ =	sdelay $0x1  }
0x19: {  	s24 =	simm.s32 $0x1B8B  }
0x1a: {  	_ =	swait.ge [sflag:s24], $0x1  }
0x1b: {  	[sflag:s24] =	ssyncset.done $0x0  }
0x1c: {  	s26 =	simm.s32 $0x1B8E;
	s25 =	sld [smem:$0x3FFE];
	[sflag:s24] =	ssyncadd.s32 $0xFFFFFFFF  }
0x1d: {  	s27 =	simm.s32 $execute0_lowered;
	[smem:$0x3FD2] =	sst s26  }
0x1e: {  	s4 =	sshll.u32 s27, $0x1;
	_ =	strace $0x80000046;
	[dreg:$0x1] =	wrdreg $0xFFFFFFFF  }
0x1f: {  	s28 =	simm.s32 $_size_execute0_lowered;
	s1 =	sadd.s32 s1, s4;
	[dreg:$0x0] =	wrdreg $0x0  }
0x20: {  	s4 =	sshll.u32 s28, $0x1;
	[dreg:$0x2] =	wrdreg s1  }
0x21: {  	[dreg:$0x3] =	wrdreg s4  }
0x22: {  	[dreg:$0x4] =	wrdreg $0xC0  }
0x23: {  	_ =	task [dreg:s6], $0x5FFFF  }
0x24: {  	[dreg:$0x1] =	wrdreg $0xFFFFFFFF  }
0x25: {  	[dreg:$0x0] =	wrdreg $0x60  }
0x26: {  	[dreg:$0x2] =	wrdreg s25  }
0x27: {  	[dreg:$0x3] =	wrdreg $0x9  }
0x28: {  	_ =	task.clear_ibuf [dreg:s6], $0x4FFFF;
	_ =	strace $0x90000046  }
0x29: {  	s29 =	simm.s32 $0x9;
	_ =	strace $0x80000048  }
0x2a: {  	_ =	swait.ge [sflag:s29], $0x1  }
0x2b: {  	[sflag:s29] =	ssyncadd.s32 $0xFFFFFFFF  }
0x2c: {  	_ =	strace $0x90000048  }
0x2d: {  	_ =	sfence  }
0x2e: {  	s30 =	sld [smem:$0x0];
	_ =	sdelay $0x2  }
0x2f: {  	s31 =	sshll.u32 s3, $0xD;
	s3 =	sshrl.u32 s3, $0x2  }
0x30: {  	s2 =	sand.u32 $0x4000, s31;
	s1 =	sadd.s32 s3, s30  }
0x31: {  	s0 =	sor.u32 s2, s0;
	s1 =	sshll.u32 s1, $0x11  }
0x32: {  	s0 =	sor.u32 s1, s0  }
0x33: {  	s0 =	sadd.s32 $0x8F2B, s0  }
0x34: {  	[sflag:s0] =	ssyncadd.remote.s32 $0x1  }
0x35: {  	_ =	sfence.sel $0xFFFF  }
0x36: {  	[dreg:$0x0] =	wrdreg $0xFFFFFFFF;
	(pc) =	sbr.abs _section_cstart, $3  }
0x37: {  	[dreg:$0x1] =	wrdreg $0xFFFFFFFF  }
0x38: {  	_ =	task.clear_ibuf [dreg:s6], $0x2FFFF;
	_ =	strace $0x9FFFFFFF  }
0x39: {  	(tm) =	ssettm $0x7FFFFFFF  }
tec
execute0_lowered:
.L_overlay_start_1:
0x0: {  	(tag) =	ssettag $0x1  }
0x1: {  	s1 =	rddreg [dreg:$0x0]  }
0x2: {  	s0 =	rddreg [dreg:$0x1]  }
0x3: {  	_ =	strace $0x80000047;
	s4 =	srdreg.scid;
	s6 =	simm.s32 $0x2  }
0x4: {  	s11 =	simm.s32 $0x0;
	p0 =	por $0x0, $0x0;
	s7 =	simm.s32 $0x1000  }
.Ltmp0:
0x5: {  	s12 =	simm.s32 $0x0;
	s9 =	simm.s32 $0x0;
	(pc) =	sbr.rel .LBB1_1-.Ltmp0, $4  }
0x6: {  	s2 =	sadd.s32 $0x1C00, s1;
	s3 =	sadd.s32 $0x201C00, s1;
	s5 =	sshll.u32 s4, $0x4  }
0x7: {  	s1 =	stileid.u32;
	s4 =	simm.s32 $0x1;
	s5 =	sand.u32 $0x10, s5  }
0x8: {  	s8 =	simm.s32 $0x0;
	[sflag:s4] =	ssyncpa.u1 $0x0;
	s5 =	sor.u32 s1, s5  }
0x9: {  	[sflag:s6] =	ssyncpa.u1 $0x0;
	s6 =	simm.s32 $0x800;
	s10 =	smov.u32 s5  }
.LBB1_7:
0xa: {  	s13 =	sadd.s32 $0x10, s9  }
0xb: {  	s11 =	sadd.s32 $0x20, s10;
	s15 =	smov.u32 s10;
	p2 =	sgt.s32 s13, $0x1F  }
0xc: {  	p1 =	slt.u32 s8, $0x2;
	s15 =	smov.u32 @p2 s11  }
0xd: {  	s8 =	sadd.s32 $0x1, s8;
	s13 =	simm.s32 @p2 $0x0;
	p2 =	sgt.s32 s15, $0x1FF  }
0xe: {  	s15 =	smov.u32 @p2 s5;
	p2 =	sne.s32 s8, $0x22  }
.Ltmp1:
0xf: {  	_ = 	snop;
	(pc) =	sbr.rel @!p2 .LBB1_8-.Ltmp1, $4  }
0x10: {  	s14 =	simm.s32 @!p1 $0x2  }
0x11: {  	s12 =	smov.u32 s10;
	_ =	swait.ge @!p1 [sflag:s14], $0x4000  }
0x12: {  	p0 =	por !p0, !p0;
	s11 =	smov.u32 s9;
	[sflag:s14] =	ssyncset.done @!p1 $0x0  }
0x13: {  	s9 =	smov.u32 s13;
	[sflag:s14] =	ssyncadd.s32 @!p1 $0xFFFFC000;
	s10 =	smov.u32 s15  }
.LBB1_1:
0x14: {  	p1 =	sgt.u32 s8, $0x1F  }
0x15: {  	s13 =	sxor.u32 @!p1 $0xFFFFFFFF, s8;
	s14 =	sshll.u32 @!p1 s10, $0xC  }
0x16: {  	s15 =	sshll.u32 @!p1 s9, $0x7;
	s13 =	sshll.u32 @!p1 s13, $0xE;
	s14 =	sadd.s32 @!p1 s2, s14  }
0x17: {  	s13 =	sand.u32 @!p1 $0x4000, s13;
	s14 =	sadd.s32 @!p1 s15, s14;
	s15 =	simm.s32 @!p1 $0x0  }
0x18: {  	[tilespmem:s13], [sflag:$0x1] =	stream.linear.gather @!p1 [hbm4b:s14+s15], $0x4000, $0x38;
	[tilespmem:$0x10000] =	vst v63  }
0x19: {  	p1 =	seq.s32 s8, $0x0  }
0x1a: {  	p2 =	seq.s32 @!p1 s8, $0x21  }
0x1b: {  	p1 =	por p1, p2  }
.Ltmp2:
0x1c: {  	_ = 	snop;
	(pc) =	sbr.rel @p1 .LBB1_7-.Ltmp2, $1  }
0x1d: {  	_ =	sdelay $0x3  }
0x1e: {  	s13 =	simm.s32 $0x1;
	_ =	swait.ge [sflag:s4], $0x4000;
	s16 =	sshll.u32 s8, $0xE  }
0x1f: {  	s13 =	simm.s32 @!p0 $0x0;
	[sflag:s4] =	ssyncset.done $0x0;
	s31 =	sand.u32 $0x4000, s16  }
0x20: {  	s16 =	simm.s32 $0x0;
	s14 =	sshll.u32 s13, $0xE;
	[sflag:s4] =	ssyncadd.s32 $0xFFFFC000  }
0x21: {  	s13 =	sor.u32 $0x8040, s14;
	s15 =	sor.u32 $0x40, s14;
	s14 =	sor.u32 $0x8000, s31  }
.LBB1_3:
0x22: {  	v0 =	vmov s15;
	_ =	sdelay $0x3  }
0x23: {  	s18 =	simm.s32 $0x0  }
0x24: {  	v6 =	vld.idx.msk [tilespmem:v0+s18+$0x30 ss:$0x1], $0xffff  }
0x25: {  	v7 =	vld.idx.msk [tilespmem:v0+s18+$0xFFFFFFC0 ss:$0x1], $0xffff  }
0x26: {  	v5 =	vld.idx.msk [tilespmem:v0+s18+$0xFFFFFFD0 ss:$0x1], $0xffff  }
0x27: {  	v4 =	vld.idx.msk [tilespmem:v0+s18+$0xFFFFFFE0 ss:$0x1], $0xffff  }
0x28: {  	v3 =	vld.idx.msk [tilespmem:v0+s18+$0xFFFFFFF0 ss:$0x1], $0xffff  }
0x29: {  	v1 =	vld.idx.msk [tilespmem:v0+s18+$0x0 ss:$0x1], $0xffff  }
0x2a: {  	v2 =	vld.idx.msk [tilespmem:v0+s18+$0x10 ss:$0x1], $0xffff;
	[tilespmem:s13+$0x30] =	vst v6  }
0x2b: {  	s17 =	simm.s32 $0x80;
	s19 =	simm.s32 $0x400;
	[tilespmem:s13+$0xFFFFFFC0] =	vst v7;
	v6 =	vld.idx.msk [tilespmem:v0+s18+$0x20 ss:$0x1], $0xffff;
	s18 =	smov.u32 s13  }
.LBB1_4:
0x2c: {  	p1 =	sne.s32 s19, $0xE00;
	v7 =	vld.idx.msk [tilespmem:v0+s17+$0x30 ss:$0x1], $0xffff;
	[tilespmem:s18+$0xFFFFFFD0] =	vst v5  }
0x2d: {  	v8 =	vld.idx.msk [tilespmem:v0+s17+$0xFFFFFFC0 ss:$0x1], $0xffff;
	[tilespmem:s18+$0xFFFFFFE0] =	vst v4  }
0x2e: {  	v5 =	vld.idx.msk [tilespmem:v0+s17+$0xFFFFFFD0 ss:$0x1], $0xffff;
	[tilespmem:s18+$0xFFFFFFF0] =	vst v3  }
.Ltmp3:
0x2f: {  	v4 =	vld.idx.msk [tilespmem:v0+s17+$0xFFFFFFE0 ss:$0x1], $0xffff;
	[tilespmem:s18+$0x0] =	vst v1;
	(pc) =	sbr.rel @p1 .LBB1_4-.Ltmp3, $4  }
0x30: {  	v3 =	vld.idx.msk [tilespmem:v0+s17+$0xFFFFFFF0 ss:$0x1], $0xffff;
	[tilespmem:s18+$0x10] =	vst v2  }
0x31: {  	v1 =	vld.idx.msk [tilespmem:v0+s17+$0x0 ss:$0x1], $0xffff;
	[tilespmem:s18+$0x20] =	vst v6;
	s18 =	sadd.s32 $0x800, s18  }
0x32: {  	v2 =	vld.idx.msk [tilespmem:v0+s17+$0x10 ss:$0x1], $0xffff;
	[tilespmem:s18+$0x30] =	vst v7  }
0x33: {  	[tilespmem:s18+$0xFFFFFFC0] =	vst v8;
	v6 =	vld.idx.msk [tilespmem:v0+s17+$0x20 ss:$0x1], $0xffff;
	s17 =	sshra.s32 s19, $0x2;
	s19 =	sadd.s32 $0x200, s19  }
0x34: {  	_ =	sdelay $0x2  }
0x35: {  	[tilespmem:s18+$0xFFFFFFD0] =	vst v5  }
0x36: {  	v56 =	vld.idx.msk [tilespmem:v0+s17+$0x30 ss:$0x1], $0xffff;
	[tilespmem:s18+$0xFFFFFFE0] =	vst v4  }
0x37: {  	v57 =	vld.idx.msk [tilespmem:v0+s17+$0xFFFFFFC0 ss:$0x1], $0xffff;
	[tilespmem:s18+$0xFFFFFFF0] =	vst v3  }
0x38: {  	v58 =	vld.idx.msk [tilespmem:v0+s17+$0xFFFFFFD0 ss:$0x1], $0xffff;
	[tilespmem:s18+$0x0] =	vst v1  }
0x39: {  	v59 =	vld.idx.msk [tilespmem:v0+s17+$0xFFFFFFE0 ss:$0x1], $0xffff;
	[tilespmem:s18+$0x10] =	vst v2  }
0x3a: {  	v60 =	vld.idx.msk [tilespmem:v0+s17+$0xFFFFFFF0 ss:$0x1], $0xffff;
	s31 =	sadd.s32 $0x800, s18;
	[tilespmem:s18+$0x20] =	vst v6  }
0x3b: {  	v61 =	vld.idx.msk [tilespmem:v0+s17+$0x0 ss:$0x1], $0xffff;
	[tilespmem:s31+$0x30] =	vst v56  }
0x3c: {  	v62 =	vld.idx.msk [tilespmem:v0+s17+$0x10 ss:$0x1], $0xffff;
	s16 =	sadd.s32 $0x1, s16;
	[tilespmem:s31+$0xFFFFFFC0] =	vst v57  }
0x3d: {  	v63 =	vld.idx.msk [tilespmem:v0+s17+$0x20 ss:$0x1], $0xffff;
	p1 =	sne.s32 s16, $0x10;
	[tilespmem:s31+$0xFFFFFFD0] =	vst v58  }
.Ltmp4:
0x3e: {  	[tilespmem:s31+$0xFFFFFFE0] =	vst v59;
	(pc) =	sbr.rel @p1 .LBB1_3-.Ltmp4, $4  }
0x3f: {  	[tilespmem:s31+$0xFFFFFFF0] =	vst v60  }
0x40: {  	[tilespmem:s31+$0x0] =	vst v61  }
0x41: {  	[tilespmem:s31+$0x10] =	vst v62  }
0x42: {  	s13 =	sadd.s32 $0x80, s13;
	s15 =	sadd.s32 $0x400, s15;
	[tilespmem:s31+$0x20] =	vst v63  }
.Ltmp5:
0x43: {  	(pc) =	sbr.rel .LBB1_7-.Ltmp5, $4  }
0x44: {  	s12 =	sshll.u32 s12, $0xC;
	s11 =	sshll.u32 s11, $0x4  }
0x45: {  	s11 =	sand.u32 $0x1F0, s11;
	s12 =	sadd.s32 s3, s12  }
0x46: {  	s11 =	sadd.s32 s11, s12  }
0x47: {  	[hbm4b:s11+s6] =	stream.strided.scatter [tilespmem:s14], [sflag:$0x2], $0x4000, s7, s6, $0x38;
	[tilespmem:$0x10000] =	vst v63  }
.LBB1_8:
0x48: {  	_ =	sfence.sel $0x180000  }
0x49: {  	s2 =	simm.s32 $0x1;
	[bflag:$0x0] =	sbarrier.arrive $0xFFFF  }
0x4a: {  	s31 =	simm.s32 $0x2;
	[sflag:s2] =	ssyncpa.u1 $0x1  }
0x4b: {  	[sflag:s31] =	ssyncpa.u1 $0x1  }
0x4c: {  	p0 =	sne.s32 s1, $0x0;
	_ =	strace $0x90000047  }
0x4d: {  	s0 =	sadd.s32 @!p0 $0x100000, s0;
	[bflag:$0x2] =	sbarrier.arrive $0xFFFF  }
0x4e: {  	[sflag:s0] =	ssyncadd.tile.s32 @!p0 $0x1;
	_ =	shalt  }
.Lfunc_end1:
_tile_overlayer_lowered:
.L_overlay_start_2:
0x4f: {  	(tag) =	ssettag $0x2  }
0x50: {  	s0 =	rddreg [dreg:$0x0];
	s2 =	stileid.u32  }
0x51: {  	s1 =	rddreg [dreg:$0x1];
	p0 =	sne.s32 s2, $0x0  }
0x52: {  	s3 =	rddreg [dreg:$0x2];
	[bflag:$0x3] =	sbarrier.arrive $0xFFFF;
	s2 =	simm.s32 @!p0 $0x1C01  }
0x53: {  	[timem:s3], [sflag:s2] =	dma.local @!p0 [hbm:s0], s1  }
0x54: {  	s0 =	simm.s32 @!p0 $0x1  }
0x55: {  	_ =	swait.ge @!p0 [sflag:s0], s1  }
0x56: {  	s1 =	ssub.s32 @!p0 $0x0, s1;
	[sflag:s0] =	ssyncset.done @!p0 $0x0  }
0x57: {  	[sflag:s0] =	ssyncadd.s32 @!p0 s1  }
0x58: {  	[bflag:$0x3] =	sbarrier.arrive $0xFFFF  }
0x59: {  	_ =	shalt  }

</sc_bundles>
